<compile_context>
chip_gen: v7x
topology: tpu7x:2x2x1
jax: 0.10.2.dev20260603
libtpu: 0.0.44.dev20260713+nightly
codegen_flags: <defaults>
</compile_context>

<pallas_src>
import functools

import jax
import jax.numpy as jnp
from jax import lax
from jax.experimental import pallas as pl
from jax.experimental.pallas import tpu as pltpu
from jax.experimental.pallas import tpu_sc as plsc

N_NODES = 10000
N_EDGES = 320000
D = 128

NC, NS = 2, 16
NW = NC * NS
CHUNK = 128

GF, GS = 144, 16
FAST_CID = 0
N_CHUNKS = NS * (GF + GS)
CHUNKS_PAD = N_CHUNKS + 64
E_PAD = CHUNKS_PAD * CHUNK
NPH = 3
GBUF = GF // NPH

GD = N_CHUNKS // NW

ACC_ROWS = 10112
ZBLK = ACC_ROWS // NS
DEG_W = 16

_mesh = plsc.VectorSubcoreMesh(core_axis_name="c", subcore_axis_name="s")


@functools.partial(
    pl.kernel,
    out_type=jax.ShapeDtypeStruct((NC, ACC_ROWS, DEG_W), jnp.float32),
    mesh=_mesh,
    scratch_types=[
        pltpu.VMEM((GD, CHUNK), jnp.int32),
        pltpu.VMEM((CHUNK, DEG_W), jnp.float32),
        pltpu.VMEM_SHARED((ACC_ROWS, DEG_W), jnp.float32),
    ],
)
def _deg_kernel(dst_hbm, zeros_hbm, out_hbm, idx_v, ones_v, acc):
    cid = lax.axis_index("c")
    sid = lax.axis_index("s")
    wid = cid * NS + sid
    pltpu.sync_copy(zeros_hbm.at[pl.ds(sid * ZBLK, ZBLK)],
                    acc.at[pl.ds(sid * ZBLK, ZBLK)])
    pltpu.sync_copy(dst_hbm.at[pl.ds(wid * GD, GD)], idx_v)

    def fill(i, carry):
        ones_v[i, :] = jnp.full((DEG_W,), 1.0, jnp.float32)
        return carry

    lax.fori_loop(0, CHUNK, fill, 0)
    plsc.subcore_barrier()

    def body(g, carry):
        pltpu.sync_copy(ones_v, acc.at[idx_v.at[g]], add=True)
        return carry

    lax.fori_loop(0, GD, body, 0)
    plsc.subcore_barrier()
    pltpu.sync_copy(acc.at[pl.ds(sid * ZBLK, ZBLK)],
                    out_hbm.at[cid, pl.ds(sid * ZBLK, ZBLK)])


@functools.partial(
    pl.kernel,
    out_type=jax.ShapeDtypeStruct((NC, ACC_ROWS, D), jnp.float32),
    mesh=_mesh,
    scratch_types=[
        pltpu.VMEM((GBUF, CHUNK), jnp.int32),
        pltpu.VMEM((GBUF, CHUNK), jnp.int32),
        pltpu.VMEM((2, CHUNK, D), jnp.float32),
        pltpu.VMEM_SHARED((ACC_ROWS, D), jnp.float32),
        pltpu.SemaphoreType.DMA,
        pltpu.SemaphoreType.DMA,
    ],
)
def _msg_kernel(src_hbm, dst_hbm, z_hbm, zeros_hbm, out_hbm,
                isrc, idst, rows, acc, sem_g, sem_s):
    cid = lax.axis_index("c")
    sid = lax.axis_index("s")
    fast = cid == FAST_CID
    half = jnp.where(fast, GF // NPH, GS)
    chunk0 = jnp.where(fast, sid * GF, NS * GF + sid * GS)
    pltpu.sync_copy(zeros_hbm.at[pl.ds(sid * ZBLK, ZBLK)],
                    acc.at[pl.ds(sid * ZBLK, ZBLK)])
    plsc.subcore_barrier()

    for p in range(NPH):
        @pl.when((half > 0) if p == 0 else fast)
        def _work():
            start = chunk0 + p * (GF // NPH)
            pltpu.sync_copy(src_hbm.at[pl.ds(start, GBUF)], isrc)
            pltpu.sync_copy(dst_hbm.at[pl.ds(start, GBUF)], idst)

            def body(i, carry):
                g0 = 2 * i
                ca = pltpu.async_copy(z_hbm.at[isrc.at[g0]],
                                      rows.at[0], sem_g)
                cb = pltpu.async_copy(z_hbm.at[isrc.at[g0 + 1]],
                                      rows.at[1], sem_g)
                ca.wait()
                cb.wait()
                sa = pltpu.async_copy(rows.at[0], acc.at[idst.at[g0]],
                                      sem_s, add=True)
                sb = pltpu.async_copy(rows.at[1], acc.at[idst.at[g0 + 1]],
                                      sem_s, add=True)
                sa.wait()
                sb.wait()
                return carry

            lax.fori_loop(0, half // 2, body, 0)

    plsc.subcore_barrier()
    pltpu.sync_copy(acc.at[pl.ds(sid * ZBLK, ZBLK)],
                    out_hbm.at[cid, pl.ds(sid * ZBLK, ZBLK)])


def _z_body(x_ref, w_ref, d0_ref, d1_ref, z_ref, dinv_ref):
    deg = d0_ref[...] + d1_ref[...] + 1.0
    dinv = lax.rsqrt(deg)
    xw = jnp.dot(x_ref[...], w_ref[...], preferred_element_type=jnp.float32)
    z_ref[...] = xw * dinv
    dinv_ref[...] = dinv


def _final_body(a0_ref, a1_ref, z_ref, dinv_ref, b_ref, out_ref):
    s = a0_ref[...] + a1_ref[...] + z_ref[...]
    out_ref[...] = s * dinv_ref[...] + b_ref[...]


def _emlp_body(e_ref, w_ref, b_ref, out_ref):
    out_ref[...] = (
        jnp.dot(e_ref[...], w_ref[...], preferred_element_type=jnp.float32)
        + b_ref[...]
    )


def kernel(X, E, emb_nodes, emb_edges, edge_index, W_conv, b_conv, W_e, b_e):
    src = edge_index[0]
    dst = edge_index[1]
    pad = E_PAD - N_EDGES
    src_p = jnp.concatenate(
        [src, jnp.zeros((pad,), jnp.int32)]).reshape(CHUNKS_PAD, CHUNK)
    dst_p = jnp.concatenate(
        [dst, jnp.full((pad,), N_NODES, jnp.int32)]).reshape(CHUNKS_PAD, CHUNK)
    zdeg = jnp.zeros((ACC_ROWS, DEG_W), jnp.float32)
    znd = jnp.zeros((ACC_ROWS, D), jnp.float32)

    degp = _deg_kernel(dst_p, zdeg)
    d0 = degp[0, :N_NODES, 0:1]
    d1 = degp[1, :N_NODES, 0:1]

    BR = 2000
    Z, dinv = pl.pallas_call(
        _z_body,
        grid=(N_NODES // BR,),
        in_specs=[
            pl.BlockSpec((BR, D), lambda i: (i, 0)),
            pl.BlockSpec((D, D), lambda i: (0, 0)),
            pl.BlockSpec((BR, 1), lambda i: (i, 0)),
            pl.BlockSpec((BR, 1), lambda i: (i, 0)),
        ],
        out_specs=[
            pl.BlockSpec((BR, D), lambda i: (i, 0)),
            pl.BlockSpec((BR, 1), lambda i: (i, 0)),
        ],
        out_shape=[
            jax.ShapeDtypeStruct((N_NODES, D), jnp.float32),
            jax.ShapeDtypeStruct((N_NODES, 1), jnp.float32),
        ],
    )(X, W_conv, d0, d1)

    accp = _msg_kernel(src_p, dst_p, Z, znd)
    a0 = accp[0, :N_NODES]
    a1 = accp[1, :N_NODES]

    X_new = pl.pallas_call(
        _final_body,
        grid=(N_NODES // BR,),
        in_specs=[
            pl.BlockSpec((BR, D), lambda i: (i, 0)),
            pl.BlockSpec((BR, D), lambda i: (i, 0)),
            pl.BlockSpec((BR, D), lambda i: (i, 0)),
            pl.BlockSpec((BR, 1), lambda i: (i, 0)),
            pl.BlockSpec((1, D), lambda i: (0, 0)),
        ],
        out_specs=pl.BlockSpec((BR, D), lambda i: (i, 0)),
        out_shape=jax.ShapeDtypeStruct((N_NODES, D), jnp.float32),
    )(a0, a1, Z, dinv, b_conv.reshape(1, D))

    BE = 2000
    E_new = pl.pallas_call(
        _emlp_body,
        grid=(N_EDGES // BE,),
        in_specs=[
            pl.BlockSpec((BE, D), lambda i: (i, 0)),
            pl.BlockSpec((D, D), lambda i: (0, 0)),
            pl.BlockSpec((1, D), lambda i: (0, 0)),
        ],
        out_specs=pl.BlockSpec((BE, D), lambda i: (i, 0)),
        out_shape=jax.ShapeDtypeStruct((N_EDGES, D), jnp.float32),
    )(E, W_e, b_e.reshape(1, D))

    return (X_new, E_new, X)

# --- scband reference (transcript-rebuilt; emitter-appended) ---
"""Pipeline reference for scband-gnnwrapper-57964878627403 (READ-ONLY COPY).

The authoritative reference and input builder live on the scoring server;
editing this copy changes nothing except your own understanding.
"""

import jax, jax.numpy as jnp
import numpy as np

N_NODES = 10000
N_EDGES = 320000
D_IN = 128
D_OUT = 128


def setup_inputs(seed: int = 0) -> dict:
    key = jax.random.key(seed)
    ks = jax.random.split(key, 9)
    X = jax.random.normal(ks[0], (N_NODES, D_IN), dtype=jnp.float32)
    E = jax.random.normal(ks[1], (N_EDGES, D_IN), dtype=jnp.float32)
    emb_nodes = jax.random.normal(ks[2], (N_NODES, D_IN), dtype=jnp.float32)
    emb_edges = jax.random.normal(ks[3], (N_EDGES, D_IN), dtype=jnp.float32)
    edge_index = jax.random.randint(ks[4], (2, N_EDGES), 0, N_NODES, dtype=jnp.int32)
    # GCNConv parameters (lin: D_IN -> D_OUT, plus bias)
    W_conv = jax.random.normal(ks[5], (D_IN, D_OUT), dtype=jnp.float32) * (1.0 / np.sqrt(D_IN))
    b_conv = jnp.zeros((D_OUT,), dtype=jnp.float32)
    # e_mlp = nn.Linear(dim_in, dim_out)
    W_e = jax.random.normal(ks[6], (D_IN, D_OUT), dtype=jnp.float32) * (1.0 / np.sqrt(D_IN))
    b_e = jnp.zeros((D_OUT,), dtype=jnp.float32)
    return {"X": X, "E": E, "emb_nodes": emb_nodes, "emb_edges": emb_edges,
            "edge_index": edge_index, "W_conv": W_conv, "b_conv": b_conv,
            "W_e": W_e, "b_e": b_e}


def reference(X, E, emb_nodes, emb_edges, edge_index, W_conv, b_conv, W_e, b_e):
    # GNNWrapper.forward with conv = GCNConv (non-GCN2Conv branch):
    #   X_new = GCNConv(X, edge_index); E = e_mlp(E); return (X_new, E, X, None)
    N = X.shape[0]
    src = edge_index[0]
    dst = edge_index[1]
    # GCNConv: add self-loops, symmetric normalization D^-1/2 A D^-1/2
    loop = jnp.arange(N, dtype=src.dtype)
    src2 = jnp.concatenate([src, loop], axis=0)
    dst2 = jnp.concatenate([dst, loop], axis=0)
    deg = jax.ops.segment_sum(jnp.ones_like(src2, dtype=X.dtype), dst2, num_segments=N)
    dinv = jnp.where(deg > 0, jax.lax.rsqrt(jnp.maximum(deg, 1e-12)), 0.0)
    norm = dinv[src2] * dinv[dst2]
    Xw = X @ W_conv
    msgs = jnp.take(Xw, src2, axis=0) * norm[:, None]
    X_new = jax.ops.segment_sum(msgs, dst2, num_segments=N) + b_conv
    # e_mlp on edge features
    E_new = E @ W_e + b_e
    # original returns (X_new, E, X, None); drop trailing None for array-only tuple
    return (X_new, E_new, X)

if __name__ == "__main__":
    import jax
    _d = setup_inputs()
    print(jax.jit(kernel)(*tuple(_d.values())))

</pallas_src>

<mosaic_0001>
#map = affine_map<(d0, d1) -> (0, 0)>
#map1 = affine_map<(d0, d1) -> (0, 0, 0)>
module attributes {stable_mosaic.version = 14 : i64} {
  func.func @_msg_kernel(%arg0: i32, %arg1: i32, %arg2: memref<2624x128xi32, #tpu.memory_space<hbm>>, %arg3: memref<2624x128xi32, #tpu.memory_space<hbm>>, %arg4: memref<10000x128xf32, #tpu.memory_space<hbm>>, %arg5: memref<10112x128xf32, #tpu.memory_space<hbm>>, %arg6: memref<2x10112x128xf32, #tpu.memory_space<hbm>>, %arg7: memref<48x128xi32, #tpu.memory_space<vmem>>, %arg8: memref<48x128xi32, #tpu.memory_space<vmem>>, %arg9: memref<2x128x128xf32, #tpu.memory_space<vmem>>, %arg10: memref<10112x128xf32, #tpu.memory_space<vmem_shared>>, %arg11: memref<!tpu.dma_semaphore, #tpu.memory_space<semaphore_mem>>, %arg12: memref<!tpu.dma_semaphore, #tpu.memory_space<semaphore_mem>>) attributes {dimension_semantics = [#tpu.dimension_semantics<core_parallel>, #tpu.dimension_semantics<subcore_parallel>], iteration_bounds = array<i64: 2, 16>, scalar_prefetch = 0 : i64, scratch_operands = 6 : i64, tpu.core_type = #tpu.core_type<sc_vector_subcore>, window_params = [{transform_indices = #map}, {transform_indices = #map}, {transform_indices = #map}, {transform_indices = #map}, {transform_indices = #map1}]} {
    %eq3A = arith.constant 0 : i32
    %eq3A_0 = arith.cmpi eq, %arg0, %eq3A : i32
    %jit3A = arith.constant 48 : i32
    %jit3A_1 = arith.constant 16 : i32
    %select_n3A = arith.select %eq3A_0, %jit3A, %jit3A_1 : i32
    %mul3A = arith.constant 144 : i32
    %mul3A_2 = arith.muli %arg1, %mul3A : i32
    %mul3A_3 = arith.constant 16 : i32
    %mul3A_4 = arith.muli %arg1, %mul3A_3 : i32
    %add3A = arith.constant 2304 : i32
    %add3A_5 = arith.addi %add3A, %mul3A_4 : i32
    %select_n3A_6 = arith.select %eq3A_0, %mul3A_2, %add3A_5 : i32
    %mul3A_7 = arith.constant 632 : i32
    %mul3A_8 = arith.muli %arg1, %mul3A_7 : i32
    %mul3A_9 = arith.constant 632 : i32
    %mul3A_10 = arith.muli %arg1, %mul3A_9 : i32
    "tpu.region"() ({
      %run_scoped3A = tpu.sem_alloc : memref<!tpu.dma_semaphore, #tpu.memory_space<semaphore_mem>>
      %dma_start3A = arith.constant 0 : i32
      %dma_start3A_24 = tpu.memref_slice %arg10[%mul3A_10, %dma_start3A] : memref<10112x128xf32, #tpu.memory_space<vmem_shared>> -> memref<632x128xf32, #tpu.memory_space<vmem_shared>>
      %dma_start3A_25 = arith.constant 0 : i32
      %dma_start3A_26 = tpu.memref_slice %arg5[%mul3A_8, %dma_start3A_25] : memref<10112x128xf32, #tpu.memory_space<hbm>> -> memref<632x128xf32, #tpu.memory_space<hbm>>
      tpu.enqueue_dma source(%dma_start3A_26 : memref<632x128xf32, #tpu.memory_space<hbm>>) target(%dma_start3A_24 : memref<632x128xf32, #tpu.memory_space<vmem_shared>>) target_semaphore(%run_scoped3A : memref<!tpu.dma_semaphore, #tpu.memory_space<semaphore_mem>>)
      %dma_wait3A = arith.constant 0 : i32
      %dma_wait3A_27 = tpu.memref_slice %arg10[%mul3A_10, %dma_wait3A] : memref<10112x128xf32, #tpu.memory_space<vmem_shared>> -> memref<632x128xf32, #tpu.memory_space<vmem_shared>>
      %dma_wait3A_28 = arith.constant 0 : i32
      %dma_wait3A_29 = tpu.memref_slice %arg5[%mul3A_8, %dma_wait3A_28] : memref<10112x128xf32, #tpu.memory_space<hbm>> -> memref<632x128xf32, #tpu.memory_space<hbm>>
      tpu.wait_dma2 semaphore(%run_scoped3A : memref<!tpu.dma_semaphore, #tpu.memory_space<semaphore_mem>>) src(%dma_wait3A_29 : memref<632x128xf32, #tpu.memory_space<hbm>>) dst(%dma_wait3A_27 : memref<632x128xf32, #tpu.memory_space<vmem_shared>>)
      tpu.yield
    }) : () -> ()
    %barrier3A = arith.constant 0 : index
    tpu.barrier barrier_id(%barrier3A)
    %gt3A = arith.constant 0 : i32
    %gt3A_11 = arith.cmpi sgt, %select_n3A, %gt3A : i32
    %convert_element_type3A = arith.extui %gt3A_11 : i1 to i32
    %cond3A = arith.constant 0 : i32
    %cond3A_12 = arith.cmpi ne, %convert_element_type3A, %cond3A : i32
    scf.if %cond3A_12 {
      %add3A_24 = arith.constant 0 : i32
      %add3A_25 = arith.addi %select_n3A_6, %add3A_24 : i32
      "tpu.region"() ({
        %run_scoped3A = tpu.sem_alloc : memref<!tpu.dma_semaphore, #tpu.memory_space<semaphore_mem>>
        %dma_start3A = arith.constant 0 : i32
        %dma_start3A_53 = tpu.memref_slice %arg2[%add3A_25, %dma_start3A] : memref<2624x128xi32, #tpu.memory_space<hbm>> -> memref<48x128xi32, #tpu.memory_space<hbm>>
        %dma_start3A_54 = arith.constant 0 : i32
        %dma_start3A_55 = tpu.memref_slice %arg2[%add3A_25, %dma_start3A_54] : memref<2624x128xi32, #tpu.memory_space<hbm>> -> memref<48x128xi32, #tpu.memory_space<hbm>>
        tpu.enqueue_dma source(%dma_start3A_55 : memref<48x128xi32, #tpu.memory_space<hbm>>) target(%arg7 : memref<48x128xi32, #tpu.memory_space<vmem>>) target_semaphore(%run_scoped3A : memref<!tpu.dma_semaphore, #tpu.memory_space<semaphore_mem>>)
        %dma_wait3A = arith.constant 0 : i32
        %dma_wait3A_56 = tpu.memref_slice %arg2[%add3A_25, %dma_wait3A] : memref<2624x128xi32, #tpu.memory_space<hbm>> -> memref<48x128xi32, #tpu.memory_space<hbm>>
        %dma_wait3A_57 = arith.constant 0 : i32
        %dma_wait3A_58 = tpu.memref_slice %arg2[%add3A_25, %dma_wait3A_57] : memref<2624x128xi32, #tpu.memory_space<hbm>> -> memref<48x128xi32, #tpu.memory_space<hbm>>
        tpu.wait_dma2 semaphore(%run_scoped3A : memref<!tpu.dma_semaphore, #tpu.memory_space<semaphore_mem>>) src(%dma_wait3A_58 : memref<48x128xi32, #tpu.memory_space<hbm>>) dst(%arg7 : memref<48x128xi32, #tpu.memory_space<vmem>>)
        tpu.yield
      }) : () -> ()
      "tpu.region"() ({
        %run_scoped3A = tpu.sem_alloc : memref<!tpu.dma_semaphore, #tpu.memory_space<semaphore_mem>>
        %dma_start3A = arith.constant 0 : i32
        %dma_start3A_53 = tpu.memref_slice %arg3[%add3A_25, %dma_start3A] : memref<2624x128xi32, #tpu.memory_space<hbm>> -> memref<48x128xi32, #tpu.memory_space<hbm>>
        %dma_start3A_54 = arith.constant 0 : i32
        %dma_start3A_55 = tpu.memref_slice %arg3[%add3A_25, %dma_start3A_54] : memref<2624x128xi32, #tpu.memory_space<hbm>> -> memref<48x128xi32, #tpu.memory_space<hbm>>
        tpu.enqueue_dma source(%dma_start3A_55 : memref<48x128xi32, #tpu.memory_space<hbm>>) target(%arg8 : memref<48x128xi32, #tpu.memory_space<vmem>>) target_semaphore(%run_scoped3A : memref<!tpu.dma_semaphore, #tpu.memory_space<semaphore_mem>>)
        %dma_wait3A = arith.constant 0 : i32
        %dma_wait3A_56 = tpu.memref_slice %arg3[%add3A_25, %dma_wait3A] : memref<2624x128xi32, #tpu.memory_space<hbm>> -> memref<48x128xi32, #tpu.memory_space<hbm>>
        %dma_wait3A_57 = arith.constant 0 : i32
        %dma_wait3A_58 = tpu.memref_slice %arg3[%add3A_25, %dma_wait3A_57] : memref<2624x128xi32, #tpu.memory_space<hbm>> -> memref<48x128xi32, #tpu.memory_space<hbm>>
        tpu.wait_dma2 semaphore(%run_scoped3A : memref<!tpu.dma_semaphore, #tpu.memory_space<semaphore_mem>>) src(%dma_wait3A_58 : memref<48x128xi32, #tpu.memory_space<hbm>>) dst(%arg8 : memref<48x128xi32, #tpu.memory_space<vmem>>)
        tpu.yield
      }) : () -> ()
      %jit3A_26 = arith.constant 2 : i32
      %div3A = arith.divsi %select_n3A, %jit3A_26 : i32
      %sign3A = arith.constant 0 : i32
      %sign3A_27 = arith.cmpi sgt, %select_n3A, %sign3A : i32
      %sign3A_28 = arith.extui %sign3A_27 : i1 to i32
      %sign3A_29 = arith.constant 0 : i32
      %sign3A_30 = arith.cmpi slt, %select_n3A, %sign3A_29 : i32
      %sign3A_31 = arith.extui %sign3A_30 : i1 to i32
      %sign3A_32 = arith.subi %sign3A_28, %sign3A_31 : i32
      %sign3A_33 = arith.constant 0 : i32
      %sign3A_34 = arith.cmpi sgt, %jit3A_26, %sign3A_33 : i32
      %sign3A_35 = arith.extui %sign3A_34 : i1 to i32
      %sign3A_36 = arith.constant 0 : i32
      %sign3A_37 = arith.cmpi slt, %jit3A_26, %sign3A_36 : i32
      %sign3A_38 = arith.extui %sign3A_37 : i1 to i32
      %sign3A_39 = arith.subi %sign3A_35, %sign3A_38 : i32
      %ne3A = arith.cmpi ne, %sign3A_32, %sign3A_39 : i32
      %rem3A = arith.remsi %select_n3A, %jit3A_26 : i32
      %ne3A_40 = arith.constant 0 : i32
      %ne3A_41 = arith.cmpi ne, %rem3A, %ne3A_40 : i32
      %and3A = arith.andi %ne3A, %ne3A_41 : i1
      %sub3A = arith.constant 1 : i32
      %sub3A_42 = arith.subi %div3A, %sub3A : i32
      %select_n3A_43 = arith.select %and3A, %sub3A_42, %div3A : i32
      %while3A = arith.constant 0 : i32
      %while3A_44 = arith.constant 0 : i32
      %while3A_45 = arith.subi %select_n3A_43, %while3A_44 : i32
      %while3A_46 = arith.addi %while3A_44, %while3A_45 : i32
      %while3A_47 = arith.constant 1 : i32
      %while3A_48 = arith.divsi %while3A_45, %while3A_47 : i32
      %while3A_49 = arith.muli %while3A_48, %while3A_47 : i32
      %while3A_50 = arith.addi %while3A_44, %while3A_49 : i32
      %while3A_51 = arith.constant 1 : i32
      scf.for %while3A_53 = %while3A_44 to %while3A_50 step %while3A_51  : i32 {
        %mul3A_54 = arith.constant 2 : i32
        %mul3A_55 = arith.muli %mul3A_54, %while3A_53 : i32
        %dma_start3A = arith.constant 0 : i32
        %dma_start3A_56 = arith.constant 0 : i32
        %dma_start3A_57 = arith.constant 0 : i32
        %dma_start3A_58 = tpu.memref_slice %arg9[%dma_start3A, %dma_start3A_56, %dma_start3A_57] : memref<2x128x128xf32, #tpu.memory_space<vmem>> -> memref<1x128x128xf32, #tpu.memory_space<vmem>>
        %dma_start3A_59 = tpu.memref_squeeze %dma_start3A_58 : memref<1x128x128xf32, #tpu.memory_space<vmem>> -> memref<128x128xf32, #tpu.memory_space<vmem>>
        %dma_start3A_60 = arith.constant 0 : i32
        %dma_start3A_61 = tpu.memref_slice %arg7[%mul3A_55, %dma_start3A_60] : memref<48x128xi32, #tpu.memory_space<vmem>> -> memref<1x128xi32, #tpu.memory_space<vmem>>
        %dma_start3A_62 = tpu.memref_squeeze %dma_start3A_61 : memref<1x128xi32, #tpu.memory_space<vmem>> -> memref<128xi32, #tpu.memory_space<vmem>>
        %dma_start3A_63 = arith.constant 0 : i32
        %dma_start3A_64 = arith.constant 0 : i32
        %dma_start3A_65 = tpu.memref_slice %arg4[%dma_start3A_63, %dma_start3A_64] : memref<10000x128xf32, #tpu.memory_space<hbm>> -> memref<10000x128xf32, #tpu.memory_space<hbm>>
        tpu.enqueue_indirect_dma source(%dma_start3A_65 : memref<10000x128xf32, #tpu.memory_space<hbm>>) target(%dma_start3A_59 : memref<128x128xf32, #tpu.memory_space<vmem>>) offsets(%dma_start3A_62 : memref<128xi32, #tpu.memory_space<vmem>>) semaphore(%arg11 : memref<!tpu.dma_semaphore, #tpu.memory_space<semaphore_mem>>)
        %add3A_66 = arith.constant 1 : i32
        %add3A_67 = arith.addi %mul3A_55, %add3A_66 : i32
        %dma_start3A_68 = arith.constant 1 : i32
        %dma_start3A_69 = arith.constant 0 : i32
        %dma_start3A_70 = arith.constant 0 : i32
        %dma_start3A_71 = tpu.memref_slice %arg9[%dma_start3A_68, %dma_start3A_69, %dma_start3A_70] : memref<2x128x128xf32, #tpu.memory_space<vmem>> -> memref<1x128x128xf32, #tpu.memory_space<vmem>>
        %dma_start3A_72 = tpu.memref_squeeze %dma_start3A_71 : memref<1x128x128xf32, #tpu.memory_space<vmem>> -> memref<128x128xf32, #tpu.memory_space<vmem>>
        %dma_start3A_73 = arith.constant 0 : i32
        %dma_start3A_74 = tpu.memref_slice %arg7[%add3A_67, %dma_start3A_73] : memref<48x128xi32, #tpu.memory_space<vmem>> -> memref<1x128xi32, #tpu.memory_space<vmem>>
        %dma_start3A_75 = tpu.memref_squeeze %dma_start3A_74 : memref<1x128xi32, #tpu.memory_space<vmem>> -> memref<128xi32, #tpu.memory_space<vmem>>
        %dma_start3A_76 = arith.constant 0 : i32
        %dma_start3A_77 = arith.constant 0 : i32
        %dma_start3A_78 = tpu.memref_slice %arg4[%dma_start3A_76, %dma_start3A_77] : memref<10000x128xf32, #tpu.memory_space<hbm>> -> memref<10000x128xf32, #tpu.memory_space<hbm>>
        tpu.enqueue_indirect_dma source(%dma_start3A_78 : memref<10000x128xf32, #tpu.memory_space<hbm>>) target(%dma_start3A_72 : memref<128x128xf32, #tpu.memory_space<vmem>>) offsets(%dma_start3A_75 : memref<128xi32, #tpu.memory_space<vmem>>) semaphore(%arg11 : memref<!tpu.dma_semaphore, #tpu.memory_space<semaphore_mem>>)
        %dma_wait3A = arith.constant 0 : i32
        %dma_wait3A_79 = arith.constant 0 : i32
        %dma_wait3A_80 = arith.constant 0 : i32
        %dma_wait3A_81 = tpu.memref_slice %arg9[%dma_wait3A, %dma_wait3A_79, %dma_wait3A_80] : memref<2x128x128xf32, #tpu.memory_space<vmem>> -> memref<1x128x128xf32, #tpu.memory_space<vmem>>
        %dma_wait3A_82 = tpu.memref_squeeze %dma_wait3A_81 : memref<1x128x128xf32, #tpu.memory_space<vmem>> -> memref<128x128xf32, #tpu.memory_space<vmem>>
        %dma_wait3A_83 = arith.constant 0 : i32
        %dma_wait3A_84 = tpu.memref_slice %arg7[%mul3A_55, %dma_wait3A_83] : memref<48x128xi32, #tpu.memory_space<vmem>> -> memref<1x128xi32, #tpu.memory_space<vmem>>
        %dma_wait3A_85 = tpu.memref_squeeze %dma_wait3A_84 : memref<1x128xi32, #tpu.memory_space<vmem>> -> memref<128xi32, #tpu.memory_space<vmem>>
        %dma_wait3A_86 = arith.constant 0 : i32
        %dma_wait3A_87 = arith.constant 0 : i32
        %dma_wait3A_88 = tpu.memref_slice %arg4[%dma_wait3A_86, %dma_wait3A_87] : memref<10000x128xf32, #tpu.memory_space<hbm>> -> memref<10000x128xf32, #tpu.memory_space<hbm>>
        tpu.wait_indirect_dma semaphore(%arg11 : memref<!tpu.dma_semaphore, #tpu.memory_space<semaphore_mem>>) src(%dma_wait3A_88 : memref<10000x128xf32, #tpu.memory_space<hbm>>) dst(%dma_wait3A_82 : memref<128x128xf32, #tpu.memory_space<vmem>>)
        %dma_wait3A_89 = arith.constant 1 : i32
        %dma_wait3A_90 = arith.constant 0 : i32
        %dma_wait3A_91 = arith.constant 0 : i32
        %dma_wait3A_92 = tpu.memref_slice %arg9[%dma_wait3A_89, %dma_wait3A_90, %dma_wait3A_91] : memref<2x128x128xf32, #tpu.memory_space<vmem>> -> memref<1x128x128xf32, #tpu.memory_space<vmem>>
        %dma_wait3A_93 = tpu.memref_squeeze %dma_wait3A_92 : memref<1x128x128xf32, #tpu.memory_space<vmem>> -> memref<128x128xf32, #tpu.memory_space<vmem>>
        %dma_wait3A_94 = arith.constant 0 : i32
        %dma_wait3A_95 = tpu.memref_slice %arg7[%add3A_67, %dma_wait3A_94] : memref<48x128xi32, #tpu.memory_space<vmem>> -> memref<1x128xi32, #tpu.memory_space<vmem>>
        %dma_wait3A_96 = tpu.memref_squeeze %dma_wait3A_95 : memref<1x128xi32, #tpu.memory_space<vmem>> -> memref<128xi32, #tpu.memory_space<vmem>>
        %dma_wait3A_97 = arith.constant 0 : i32
        %dma_wait3A_98 = arith.constant 0 : i32
        %dma_wait3A_99 = tpu.memref_slice %arg4[%dma_wait3A_97, %dma_wait3A_98] : memref<10000x128xf32, #tpu.memory_space<hbm>> -> memref<10000x128xf32, #tpu.memory_space<hbm>>
        tpu.wait_indirect_dma semaphore(%arg11 : memref<!tpu.dma_semaphore, #tpu.memory_space<semaphore_mem>>) src(%dma_wait3A_99 : memref<10000x128xf32, #tpu.memory_space<hbm>>) dst(%dma_wait3A_93 : memref<128x128xf32, #tpu.memory_space<vmem>>)
        %dma_start3A_100 = arith.constant 0 : i32
        %dma_start3A_101 = arith.constant 0 : i32
        %dma_start3A_102 = arith.constant 0 : i32
        %dma_start3A_103 = tpu.memref_slice %arg9[%dma_start3A_100, %dma_start3A_101, %dma_start3A_102] : memref<2x128x128xf32, #tpu.memory_space<vmem>> -> memref<1x128x128xf32, #tpu.memory_space<vmem>>
        %dma_start3A_104 = tpu.memref_squeeze %dma_start3A_103 : memref<1x128x128xf32, #tpu.memory_space<vmem>> -> memref<128x128xf32, #tpu.memory_space<vmem>>
        %dma_start3A_105 = arith.constant 0 : i32
        %dma_start3A_106 = tpu.memref_slice %arg8[%mul3A_55, %dma_start3A_105] : memref<48x128xi32, #tpu.memory_space<vmem>> -> memref<1x128xi32, #tpu.memory_space<vmem>>
        %dma_start3A_107 = tpu.memref_squeeze %dma_start3A_106 : memref<1x128xi32, #tpu.memory_space<vmem>> -> memref<128xi32, #tpu.memory_space<vmem>>
        %dma_start3A_108 = arith.constant 0 : i32
        %dma_start3A_109 = arith.constant 0 : i32
        %dma_start3A_110 = tpu.memref_slice %arg10[%dma_start3A_108, %dma_start3A_109] : memref<10112x128xf32, #tpu.memory_space<vmem_shared>> -> memref<10112x128xf32, #tpu.memory_space<vmem_shared>>
        tpu.enqueue_indirect_dma source(%dma_start3A_104 : memref<128x128xf32, #tpu.memory_space<vmem>>) target(%dma_start3A_110 : memref<10112x128xf32, #tpu.memory_space<vmem_shared>>) offsets(%dma_start3A_107 : memref<128xi32, #tpu.memory_space<vmem>>) semaphore(%arg12 : memref<!tpu.dma_semaphore, #tpu.memory_space<semaphore_mem>>) {add = true}
        %add3A_111 = arith.constant 1 : i32
        %add3A_112 = arith.addi %mul3A_55, %add3A_111 : i32
        %dma_start3A_113 = arith.constant 1 : i32
        %dma_start3A_114 = arith.constant 0 : i32
        %dma_start3A_115 = arith.constant 0 : i32
        %dma_start3A_116 = tpu.memref_slice %arg9[%dma_start3A_113, %dma_start3A_114, %dma_start3A_115] : memref<2x128x128xf32, #tpu.memory_space<vmem>> -> memref<1x128x128xf32, #tpu.memory_space<vmem>>
        %dma_start3A_117 = tpu.memref_squeeze %dma_start3A_116 : memref<1x128x128xf32, #tpu.memory_space<vmem>> -> memref<128x128xf32, #tpu.memory_space<vmem>>
        %dma_start3A_118 = arith.constant 0 : i32
        %dma_start3A_119 = tpu.memref_slice %arg8[%add3A_112, %dma_start3A_118] : memref<48x128xi32, #tpu.memory_space<vmem>> -> memref<1x128xi32, #tpu.memory_space<vmem>>
        %dma_start3A_120 = tpu.memref_squeeze %dma_start3A_119 : memref<1x128xi32, #tpu.memory_space<vmem>> -> memref<128xi32, #tpu.memory_space<vmem>>
        %dma_start3A_121 = arith.constant 0 : i32
        %dma_start3A_122 = arith.constant 0 : i32
        %dma_start3A_123 = tpu.memref_slice %arg10[%dma_start3A_121, %dma_start3A_122] : memref<10112x128xf32, #tpu.memory_space<vmem_shared>> -> memref<10112x128xf32, #tpu.memory_space<vmem_shared>>
        tpu.enqueue_indirect_dma source(%dma_start3A_117 : memref<128x128xf32, #tpu.memory_space<vmem>>) target(%dma_start3A_123 : memref<10112x128xf32, #tpu.memory_space<vmem_shared>>) offsets(%dma_start3A_120 : memref<128xi32, #tpu.memory_space<vmem>>) semaphore(%arg12 : memref<!tpu.dma_semaphore, #tpu.memory_space<semaphore_mem>>) {add = true}
        %dma_wait3A_124 = arith.constant 0 : i32
        %dma_wait3A_125 = arith.constant 0 : i32
        %dma_wait3A_126 = arith.constant 0 : i32
        %dma_wait3A_127 = tpu.memref_slice %arg9[%dma_wait3A_124, %dma_wait3A_125, %dma_wait3A_126] : memref<2x128x128xf32, #tpu.memory_space<vmem>> -> memref<1x128x128xf32, #tpu.memory_space<vmem>>
        %dma_wait3A_128 = tpu.memref_squeeze %dma_wait3A_127 : memref<1x128x128xf32, #tpu.memory_space<vmem>> -> memref<128x128xf32, #tpu.memory_space<vmem>>
        %dma_wait3A_129 = arith.constant 0 : i32
        %dma_wait3A_130 = tpu.memref_slice %arg8[%mul3A_55, %dma_wait3A_129] : memref<48x128xi32, #tpu.memory_space<vmem>> -> memref<1x128xi32, #tpu.memory_space<vmem>>
        %dma_wait3A_131 = tpu.memref_squeeze %dma_wait3A_130 : memref<1x128xi32, #tpu.memory_space<vmem>> -> memref<128xi32, #tpu.memory_space<vmem>>
        %dma_wait3A_132 = arith.constant 0 : i32
        %dma_wait3A_133 = arith.constant 0 : i32
        %dma_wait3A_134 = tpu.memref_slice %arg10[%dma_wait3A_132, %dma_wait3A_133] : memref<10112x128xf32, #tpu.memory_space<vmem_shared>> -> memref<10112x128xf32, #tpu.memory_space<vmem_shared>>
        tpu.wait_indirect_dma semaphore(%arg12 : memref<!tpu.dma_semaphore, #tpu.memory_space<semaphore_mem>>) src(%dma_wait3A_128 : memref<128x128xf32, #tpu.memory_space<vmem>>) dst(%dma_wait3A_134 : memref<10112x128xf32, #tpu.memory_space<vmem_shared>>)
        %dma_wait3A_135 = arith.constant 1 : i32
        %dma_wait3A_136 = arith.constant 0 : i32
        %dma_wait3A_137 = arith.constant 0 : i32
        %dma_wait3A_138 = tpu.memref_slice %arg9[%dma_wait3A_135, %dma_wait3A_136, %dma_wait3A_137] : memref<2x128x128xf32, #tpu.memory_space<vmem>> -> memref<1x128x128xf32, #tpu.memory_space<vmem>>
        %dma_wait3A_139 = tpu.memref_squeeze %dma_wait3A_138 : memref<1x128x128xf32, #tpu.memory_space<vmem>> -> memref<128x128xf32, #tpu.memory_space<vmem>>
        %dma_wait3A_140 = arith.constant 0 : i32
        %dma_wait3A_141 = tpu.memref_slice %arg8[%add3A_112, %dma_wait3A_140] : memref<48x128xi32, #tpu.memory_space<vmem>> -> memref<1x128xi32, #tpu.memory_space<vmem>>
        %dma_wait3A_142 = tpu.memref_squeeze %dma_wait3A_141 : memref<1x128xi32, #tpu.memory_space<vmem>> -> memref<128xi32, #tpu.memory_space<vmem>>
        %dma_wait3A_143 = arith.constant 0 : i32
        %dma_wait3A_144 = arith.constant 0 : i32
        %dma_wait3A_145 = tpu.memref_slice %arg10[%dma_wait3A_143, %dma_wait3A_144] : memref<10112x128xf32, #tpu.memory_space<vmem_shared>> -> memref<10112x128xf32, #tpu.memory_space<vmem_shared>>
        tpu.wait_indirect_dma semaphore(%arg12 : memref<!tpu.dma_semaphore, #tpu.memory_space<semaphore_mem>>) src(%dma_wait3A_139 : memref<128x128xf32, #tpu.memory_space<vmem>>) dst(%dma_wait3A_145 : memref<10112x128xf32, #tpu.memory_space<vmem_shared>>)
      }
      %while3A_52 = arith.constant 1 : i32
      scf.for %while3A_53 = %while3A_50 to %while3A_46 step %while3A_52  : i32 {
        %mul3A_54 = arith.constant 2 : i32
        %mul3A_55 = arith.muli %mul3A_54, %while3A_53 : i32
        %dma_start3A = arith.constant 0 : i32
        %dma_start3A_56 = arith.constant 0 : i32
        %dma_start3A_57 = arith.constant 0 : i32
        %dma_start3A_58 = tpu.memref_slice %arg9[%dma_start3A, %dma_start3A_56, %dma_start3A_57] : memref<2x128x128xf32, #tpu.memory_space<vmem>> -> memref<1x128x128xf32, #tpu.memory_space<vmem>>
        %dma_start3A_59 = tpu.memref_squeeze %dma_start3A_58 : memref<1x128x128xf32, #tpu.memory_space<vmem>> -> memref<128x128xf32, #tpu.memory_space<vmem>>
        %dma_start3A_60 = arith.constant 0 : i32
        %dma_start3A_61 = tpu.memref_slice %arg7[%mul3A_55, %dma_start3A_60] : memref<48x128xi32, #tpu.memory_space<vmem>> -> memref<1x128xi32, #tpu.memory_space<vmem>>
        %dma_start3A_62 = tpu.memref_squeeze %dma_start3A_61 : memref<1x128xi32, #tpu.memory_space<vmem>> -> memref<128xi32, #tpu.memory_space<vmem>>
        %dma_start3A_63 = arith.constant 0 : i32
        %dma_start3A_64 = arith.constant 0 : i32
        %dma_start3A_65 = tpu.memref_slice %arg4[%dma_start3A_63, %dma_start3A_64] : memref<10000x128xf32, #tpu.memory_space<hbm>> -> memref<10000x128xf32, #tpu.memory_space<hbm>>
        tpu.enqueue_indirect_dma source(%dma_start3A_65 : memref<10000x128xf32, #tpu.memory_space<hbm>>) target(%dma_start3A_59 : memref<128x128xf32, #tpu.memory_space<vmem>>) offsets(%dma_start3A_62 : memref<128xi32, #tpu.memory_space<vmem>>) semaphore(%arg11 : memref<!tpu.dma_semaphore, #tpu.memory_space<semaphore_mem>>)
        %add3A_66 = arith.constant 1 : i32
        %add3A_67 = arith.addi %mul3A_55, %add3A_66 : i32
        %dma_start3A_68 = arith.constant 1 : i32
        %dma_start3A_69 = arith.constant 0 : i32
        %dma_start3A_70 = arith.constant 0 : i32
        %dma_start3A_71 = tpu.memref_slice %arg9[%dma_start3A_68, %dma_start3A_69, %dma_start3A_70] : memref<2x128x128xf32, #tpu.memory_space<vmem>> -> memref<1x128x128xf32, #tpu.memory_space<vmem>>
        %dma_start3A_72 = tpu.memref_squeeze %dma_start3A_71 : memref<1x128x128xf32, #tpu.memory_space<vmem>> -> memref<128x128xf32, #tpu.memory_space<vmem>>
        %dma_start3A_73 = arith.constant 0 : i32
        %dma_start3A_74 = tpu.memref_slice %arg7[%add3A_67, %dma_start3A_73] : memref<48x128xi32, #tpu.memory_space<vmem>> -> memref<1x128xi32, #tpu.memory_space<vmem>>
        %dma_start3A_75 = tpu.memref_squeeze %dma_start3A_74 : memref<1x128xi32, #tpu.memory_space<vmem>> -> memref<128xi32, #tpu.memory_space<vmem>>
        %dma_start3A_76 = arith.constant 0 : i32
        %dma_start3A_77 = arith.constant 0 : i32
        %dma_start3A_78 = tpu.memref_slice %arg4[%dma_start3A_76, %dma_start3A_77] : memref<10000x128xf32, #tpu.memory_space<hbm>> -> memref<10000x128xf32, #tpu.memory_space<hbm>>
        tpu.enqueue_indirect_dma source(%dma_start3A_78 : memref<10000x128xf32, #tpu.memory_space<hbm>>) target(%dma_start3A_72 : memref<128x128xf32, #tpu.memory_space<vmem>>) offsets(%dma_start3A_75 : memref<128xi32, #tpu.memory_space<vmem>>) semaphore(%arg11 : memref<!tpu.dma_semaphore, #tpu.memory_space<semaphore_mem>>)
        %dma_wait3A = arith.constant 0 : i32
        %dma_wait3A_79 = arith.constant 0 : i32
        %dma_wait3A_80 = arith.constant 0 : i32
        %dma_wait3A_81 = tpu.memref_slice %arg9[%dma_wait3A, %dma_wait3A_79, %dma_wait3A_80] : memref<2x128x128xf32, #tpu.memory_space<vmem>> -> memref<1x128x128xf32, #tpu.memory_space<vmem>>
        %dma_wait3A_82 = tpu.memref_squeeze %dma_wait3A_81 : memref<1x128x128xf32, #tpu.memory_space<vmem>> -> memref<128x128xf32, #tpu.memory_space<vmem>>
        %dma_wait3A_83 = arith.constant 0 : i32
        %dma_wait3A_84 = tpu.memref_slice %arg7[%mul3A_55, %dma_wait3A_83] : memref<48x128xi32, #tpu.memory_space<vmem>> -> memref<1x128xi32, #tpu.memory_space<vmem>>
        %dma_wait3A_85 = tpu.memref_squeeze %dma_wait3A_84 : memref<1x128xi32, #tpu.memory_space<vmem>> -> memref<128xi32, #tpu.memory_space<vmem>>
        %dma_wait3A_86 = arith.constant 0 : i32
        %dma_wait3A_87 = arith.constant 0 : i32
        %dma_wait3A_88 = tpu.memref_slice %arg4[%dma_wait3A_86, %dma_wait3A_87] : memref<10000x128xf32, #tpu.memory_space<hbm>> -> memref<10000x128xf32, #tpu.memory_space<hbm>>
        tpu.wait_indirect_dma semaphore(%arg11 : memref<!tpu.dma_semaphore, #tpu.memory_space<semaphore_mem>>) src(%dma_wait3A_88 : memref<10000x128xf32, #tpu.memory_space<hbm>>) dst(%dma_wait3A_82 : memref<128x128xf32, #tpu.memory_space<vmem>>)
        %dma_wait3A_89 = arith.constant 1 : i32
        %dma_wait3A_90 = arith.constant 0 : i32
        %dma_wait3A_91 = arith.constant 0 : i32
        %dma_wait3A_92 = tpu.memref_slice %arg9[%dma_wait3A_89, %dma_wait3A_90, %dma_wait3A_91] : memref<2x128x128xf32, #tpu.memory_space<vmem>> -> memref<1x128x128xf32, #tpu.memory_space<vmem>>
        %dma_wait3A_93 = tpu.memref_squeeze %dma_wait3A_92 : memref<1x128x128xf32, #tpu.memory_space<vmem>> -> memref<128x128xf32, #tpu.memory_space<vmem>>
        %dma_wait3A_94 = arith.constant 0 : i32
        %dma_wait3A_95 = tpu.memref_slice %arg7[%add3A_67, %dma_wait3A_94] : memref<48x128xi32, #tpu.memory_space<vmem>> -> memref<1x128xi32, #tpu.memory_space<vmem>>
        %dma_wait3A_96 = tpu.memref_squeeze %dma_wait3A_95 : memref<1x128xi32, #tpu.memory_space<vmem>> -> memref<128xi32, #tpu.memory_space<vmem>>
        %dma_wait3A_97 = arith.constant 0 : i32
        %dma_wait3A_98 = arith.constant 0 : i32
        %dma_wait3A_99 = tpu.memref_slice %arg4[%dma_wait3A_97, %dma_wait3A_98] : memref<10000x128xf32, #tpu.memory_space<hbm>> -> memref<10000x128xf32, #tpu.memory_space<hbm>>
        tpu.wait_indirect_dma semaphore(%arg11 : memref<!tpu.dma_semaphore, #tpu.memory_space<semaphore_mem>>) src(%dma_wait3A_99 : memref<10000x128xf32, #tpu.memory_space<hbm>>) dst(%dma_wait3A_93 : memref<128x128xf32, #tpu.memory_space<vmem>>)
        %dma_start3A_100 = arith.constant 0 : i32
        %dma_start3A_101 = arith.constant 0 : i32
        %dma_start3A_102 = arith.constant 0 : i32
        %dma_start3A_103 = tpu.memref_slice %arg9[%dma_start3A_100, %dma_start3A_101, %dma_start3A_102] : memref<2x128x128xf32, #tpu.memory_space<vmem>> -> memref<1x128x128xf32, #tpu.memory_space<vmem>>
        %dma_start3A_104 = tpu.memref_squeeze %dma_start3A_103 : memref<1x128x128xf32, #tpu.memory_space<vmem>> -> memref<128x128xf32, #tpu.memory_space<vmem>>
        %dma_start3A_105 = arith.constant 0 : i32
        %dma_start3A_106 = tpu.memref_slice %arg8[%mul3A_55, %dma_start3A_105] : memref<48x128xi32, #tpu.memory_space<vmem>> -> memref<1x128xi32, #tpu.memory_space<vmem>>
        %dma_start3A_107 = tpu.memref_squeeze %dma_start3A_106 : memref<1x128xi32, #tpu.memory_space<vmem>> -> memref<128xi32, #tpu.memory_space<vmem>>
        %dma_start3A_108 = arith.constant 0 : i32
        %dma_start3A_109 = arith.constant 0 : i32
        %dma_start3A_110 = tpu.memref_slice %arg10[%dma_start3A_108, %dma_start3A_109] : memref<10112x128xf32, #tpu.memory_space<vmem_shared>> -> memref<10112x128xf32, #tpu.memory_space<vmem_shared>>
        tpu.enqueue_indirect_dma source(%dma_start3A_104 : memref<128x128xf32, #tpu.memory_space<vmem>>) target(%dma_start3A_110 : memref<10112x128xf32, #tpu.memory_space<vmem_shared>>) offsets(%dma_start3A_107 : memref<128xi32, #tpu.memory_space<vmem>>) semaphore(%arg12 : memref<!tpu.dma_semaphore, #tpu.memory_space<semaphore_mem>>) {add = true}
        %add3A_111 = arith.constant 1 : i32
        %add3A_112 = arith.addi %mul3A_55, %add3A_111 : i32
        %dma_start3A_113 = arith.constant 1 : i32
        %dma_start3A_114 = arith.constant 0 : i32
        %dma_start3A_115 = arith.constant 0 : i32
        %dma_start3A_116 = tpu.memref_slice %arg9[%dma_start3A_113, %dma_start3A_114, %dma_start3A_115] : memref<2x128x128xf32, #tpu.memory_space<vmem>> -> memref<1x128x128xf32, #tpu.memory_space<vmem>>
        %dma_start3A_117 = tpu.memref_squeeze %dma_start3A_116 : memref<1x128x128xf32, #tpu.memory_space<vmem>> -> memref<128x128xf32, #tpu.memory_space<vmem>>
        %dma_start3A_118 = arith.constant 0 : i32
        %dma_start3A_119 = tpu.memref_slice %arg8[%add3A_112, %dma_start3A_118] : memref<48x128xi32, #tpu.memory_space<vmem>> -> memref<1x128xi32, #tpu.memory_space<vmem>>
        %dma_start3A_120 = tpu.memref_squeeze %dma_start3A_119 : memref<1x128xi32, #tpu.memory_space<vmem>> -> memref<128xi32, #tpu.memory_space<vmem>>
        %dma_start3A_121 = arith.constant 0 : i32
        %dma_start3A_122 = arith.constant 0 : i32
        %dma_start3A_123 = tpu.memref_slice %arg10[%dma_start3A_121, %dma_start3A_122] : memref<10112x128xf32, #tpu.memory_space<vmem_shared>> -> memref<10112x128xf32, #tpu.memory_space<vmem_shared>>
        tpu.enqueue_indirect_dma source(%dma_start3A_117 : memref<128x128xf32, #tpu.memory_space<vmem>>) target(%dma_start3A_123 : memref<10112x128xf32, #tpu.memory_space<vmem_shared>>) offsets(%dma_start3A_120 : memref<128xi32, #tpu.memory_space<vmem>>) semaphore(%arg12 : memref<!tpu.dma_semaphore, #tpu.memory_space<semaphore_mem>>) {add = true}
        %dma_wait3A_124 = arith.constant 0 : i32
        %dma_wait3A_125 = arith.constant 0 : i32
        %dma_wait3A_126 = arith.constant 0 : i32
        %dma_wait3A_127 = tpu.memref_slice %arg9[%dma_wait3A_124, %dma_wait3A_125, %dma_wait3A_126] : memref<2x128x128xf32, #tpu.memory_space<vmem>> -> memref<1x128x128xf32, #tpu.memory_space<vmem>>
        %dma_wait3A_128 = tpu.memref_squeeze %dma_wait3A_127 : memref<1x128x128xf32, #tpu.memory_space<vmem>> -> memref<128x128xf32, #tpu.memory_space<vmem>>
        %dma_wait3A_129 = arith.constant 0 : i32
        %dma_wait3A_130 = tpu.memref_slice %arg8[%mul3A_55, %dma_wait3A_129] : memref<48x128xi32, #tpu.memory_space<vmem>> -> memref<1x128xi32, #tpu.memory_space<vmem>>
        %dma_wait3A_131 = tpu.memref_squeeze %dma_wait3A_130 : memref<1x128xi32, #tpu.memory_space<vmem>> -> memref<128xi32, #tpu.memory_space<vmem>>
        %dma_wait3A_132 = arith.constant 0 : i32
        %dma_wait3A_133 = arith.constant 0 : i32
        %dma_wait3A_134 = tpu.memref_slice %arg10[%dma_wait3A_132, %dma_wait3A_133] : memref<10112x128xf32, #tpu.memory_space<vmem_shared>> -> memref<10112x128xf32, #tpu.memory_space<vmem_shared>>
        tpu.wait_indirect_dma semaphore(%arg12 : memref<!tpu.dma_semaphore, #tpu.memory_space<semaphore_mem>>) src(%dma_wait3A_128 : memref<128x128xf32, #tpu.memory_space<vmem>>) dst(%dma_wait3A_134 : memref<10112x128xf32, #tpu.memory_space<vmem_shared>>)
        %dma_wait3A_135 = arith.constant 1 : i32
        %dma_wait3A_136 = arith.constant 0 : i32
        %dma_wait3A_137 = arith.constant 0 : i32
        %dma_wait3A_138 = tpu.memref_slice %arg9[%dma_wait3A_135, %dma_wait3A_136, %dma_wait3A_137] : memref<2x128x128xf32, #tpu.memory_space<vmem>> -> memref<1x128x128xf32, #tpu.memory_space<vmem>>
        %dma_wait3A_139 = tpu.memref_squeeze %dma_wait3A_138 : memref<1x128x128xf32, #tpu.memory_space<vmem>> -> memref<128x128xf32, #tpu.memory_space<vmem>>
        %dma_wait3A_140 = arith.constant 0 : i32
        %dma_wait3A_141 = tpu.memref_slice %arg8[%add3A_112, %dma_wait3A_140] : memref<48x128xi32, #tpu.memory_space<vmem>> -> memref<1x128xi32, #tpu.memory_space<vmem>>
        %dma_wait3A_142 = tpu.memref_squeeze %dma_wait3A_141 : memref<1x128xi32, #tpu.memory_space<vmem>> -> memref<128xi32, #tpu.memory_space<vmem>>
        %dma_wait3A_143 = arith.constant 0 : i32
        %dma_wait3A_144 = arith.constant 0 : i32
        %dma_wait3A_145 = tpu.memref_slice %arg10[%dma_wait3A_143, %dma_wait3A_144] : memref<10112x128xf32, #tpu.memory_space<vmem_shared>> -> memref<10112x128xf32, #tpu.memory_space<vmem_shared>>
        tpu.wait_indirect_dma semaphore(%arg12 : memref<!tpu.dma_semaphore, #tpu.memory_space<semaphore_mem>>) src(%dma_wait3A_139 : memref<128x128xf32, #tpu.memory_space<vmem>>) dst(%dma_wait3A_145 : memref<10112x128xf32, #tpu.memory_space<vmem_shared>>)
      }
    } else {
    }
    %convert_element_type3A_13 = arith.extui %eq3A_0 : i1 to i32
    %cond3A_14 = arith.constant 0 : i32
    %cond3A_15 = arith.cmpi ne, %convert_element_type3A_13, %cond3A_14 : i32
    scf.if %cond3A_15 {
      %add3A_24 = arith.constant 48 : i32
      %add3A_25 = arith.addi %select_n3A_6, %add3A_24 : i32
      "tpu.region"() ({
        %run_scoped3A = tpu.sem_alloc : memref<!tpu.dma_semaphore, #tpu.memory_space<semaphore_mem>>
        %dma_start3A = arith.constant 0 : i32
        %dma_start3A_53 = tpu.memref_slice %arg2[%add3A_25, %dma_start3A] : memref<2624x128xi32, #tpu.memory_space<hbm>> -> memref<48x128xi32, #tpu.memory_space<hbm>>
        %dma_start3A_54 = arith.constant 0 : i32
        %dma_start3A_55 = tpu.memref_slice %arg2[%add3A_25, %dma_start3A_54] : memref<2624x128xi32, #tpu.memory_space<hbm>> -> memref<48x128xi32, #tpu.memory_space<hbm>>
        tpu.enqueue_dma source(%dma_start3A_55 : memref<48x128xi32, #tpu.memory_space<hbm>>) target(%arg7 : memref<48x128xi32, #tpu.memory_space<vmem>>) target_semaphore(%run_scoped3A : memref<!tpu.dma_semaphore, #tpu.memory_space<semaphore_mem>>)
        %dma_wait3A = arith.constant 0 : i32
        %dma_wait3A_56 = tpu.memref_slice %arg2[%add3A_25, %dma_wait3A] : memref<2624x128xi32, #tpu.memory_space<hbm>> -> memref<48x128xi32, #tpu.memory_space<hbm>>
        %dma_wait3A_57 = arith.constant 0 : i32
        %dma_wait3A_58 = tpu.memref_slice %arg2[%add3A_25, %dma_wait3A_57] : memref<2624x128xi32, #tpu.memory_space<hbm>> -> memref<48x128xi32, #tpu.memory_space<hbm>>
        tpu.wait_dma2 semaphore(%run_scoped3A : memref<!tpu.dma_semaphore, #tpu.memory_space<semaphore_mem>>) src(%dma_wait3A_58 : memref<48x128xi32, #tpu.memory_space<hbm>>) dst(%arg7 : memref<48x128xi32, #tpu.memory_space<vmem>>)
        tpu.yield
      }) : () -> ()
      "tpu.region"() ({
        %run_scoped3A = tpu.sem_alloc : memref<!tpu.dma_semaphore, #tpu.memory_space<semaphore_mem>>
        %dma_start3A = arith.constant 0 : i32
        %dma_start3A_53 = tpu.memref_slice %arg3[%add3A_25, %dma_start3A] : memref<2624x128xi32, #tpu.memory_space<hbm>> -> memref<48x128xi32, #tpu.memory_space<hbm>>
        %dma_start3A_54 = arith.constant 0 : i32
        %dma_start3A_55 = tpu.memref_slice %arg3[%add3A_25, %dma_start3A_54] : memref<2624x128xi32, #tpu.memory_space<hbm>> -> memref<48x128xi32, #tpu.memory_space<hbm>>
        tpu.enqueue_dma source(%dma_start3A_55 : memref<48x128xi32, #tpu.memory_space<hbm>>) target(%arg8 : memref<48x128xi32, #tpu.memory_space<vmem>>) target_semaphore(%run_scoped3A : memref<!tpu.dma_semaphore, #tpu.memory_space<semaphore_mem>>)
        %dma_wait3A = arith.constant 0 : i32
        %dma_wait3A_56 = tpu.memref_slice %arg3[%add3A_25, %dma_wait3A] : memref<2624x128xi32, #tpu.memory_space<hbm>> -> memref<48x128xi32, #tpu.memory_space<hbm>>
        %dma_wait3A_57 = arith.constant 0 : i32
        %dma_wait3A_58 = tpu.memref_slice %arg3[%add3A_25, %dma_wait3A_57] : memref<2624x128xi32, #tpu.memory_space<hbm>> -> memref<48x128xi32, #tpu.memory_space<hbm>>
        tpu.wait_dma2 semaphore(%run_scoped3A : memref<!tpu.dma_semaphore, #tpu.memory_space<semaphore_mem>>) src(%dma_wait3A_58 : memref<48x128xi32, #tpu.memory_space<hbm>>) dst(%arg8 : memref<48x128xi32, #tpu.memory_space<vmem>>)
        tpu.yield
      }) : () -> ()
      %jit3A_26 = arith.constant 2 : i32
      %div3A = arith.divsi %select_n3A, %jit3A_26 : i32
      %sign3A = arith.constant 0 : i32
      %sign3A_27 = arith.cmpi sgt, %select_n3A, %sign3A : i32
      %sign3A_28 = arith.extui %sign3A_27 : i1 to i32
      %sign3A_29 = arith.constant 0 : i32
      %sign3A_30 = arith.cmpi slt, %select_n3A, %sign3A_29 : i32
      %sign3A_31 = arith.extui %sign3A_30 : i1 to i32
      %sign3A_32 = arith.subi %sign3A_28, %sign3A_31 : i32
      %sign3A_33 = arith.constant 0 : i32
      %sign3A_34 = arith.cmpi sgt, %jit3A_26, %sign3A_33 : i32
      %sign3A_35 = arith.extui %sign3A_34 : i1 to i32
      %sign3A_36 = arith.constant 0 : i32
      %sign3A_37 = arith.cmpi slt, %jit3A_26, %sign3A_36 : i32
      %sign3A_38 = arith.extui %sign3A_37 : i1 to i32
      %sign3A_39 = arith.subi %sign3A_35, %sign3A_38 : i32
      %ne3A = arith.cmpi ne, %sign3A_32, %sign3A_39 : i32
      %rem3A = arith.remsi %select_n3A, %jit3A_26 : i32
      %ne3A_40 = arith.constant 0 : i32
      %ne3A_41 = arith.cmpi ne, %rem3A, %ne3A_40 : i32
      %and3A = arith.andi %ne3A, %ne3A_41 : i1
      %sub3A = arith.constant 1 : i32
      %sub3A_42 = arith.subi %div3A, %sub3A : i32
      %select_n3A_43 = arith.select %and3A, %sub3A_42, %div3A : i32
      %while3A = arith.constant 0 : i32
      %while3A_44 = arith.constant 0 : i32
      %while3A_45 = arith.subi %select_n3A_43, %while3A_44 : i32
      %while3A_46 = arith.addi %while3A_44, %while3A_45 : i32
      %while3A_47 = arith.constant 1 : i32
      %while3A_48 = arith.divsi %while3A_45, %while3A_47 : i32
      %while3A_49 = arith.muli %while3A_48, %while3A_47 : i32
      %while3A_50 = arith.addi %while3A_44, %while3A_49 : i32
      %while3A_51 = arith.constant 1 : i32
      scf.for %while3A_53 = %while3A_44 to %while3A_50 step %while3A_51  : i32 {
        %mul3A_54 = arith.constant 2 : i32
        %mul3A_55 = arith.muli %mul3A_54, %while3A_53 : i32
        %dma_start3A = arith.constant 0 : i32
        %dma_start3A_56 = arith.constant 0 : i32
        %dma_start3A_57 = arith.constant 0 : i32
        %dma_start3A_58 = tpu.memref_slice %arg9[%dma_start3A, %dma_start3A_56, %dma_start3A_57] : memref<2x128x128xf32, #tpu.memory_space<vmem>> -> memref<1x128x128xf32, #tpu.memory_space<vmem>>
        %dma_start3A_59 = tpu.memref_squeeze %dma_start3A_58 : memref<1x128x128xf32, #tpu.memory_space<vmem>> -> memref<128x128xf32, #tpu.memory_space<vmem>>
        %dma_start3A_60 = arith.constant 0 : i32
        %dma_start3A_61 = tpu.memref_slice %arg7[%mul3A_55, %dma_start3A_60] : memref<48x128xi32, #tpu.memory_space<vmem>> -> memref<1x128xi32, #tpu.memory_space<vmem>>
        %dma_start3A_62 = tpu.memref_squeeze %dma_start3A_61 : memref<1x128xi32, #tpu.memory_space<vmem>> -> memref<128xi32, #tpu.memory_space<vmem>>
        %dma_start3A_63 = arith.constant 0 : i32
        %dma_start3A_64 = arith.constant 0 : i32
        %dma_start3A_65 = tpu.memref_slice %arg4[%dma_start3A_63, %dma_start3A_64] : memref<10000x128xf32, #tpu.memory_space<hbm>> -> memref<10000x128xf32, #tpu.memory_space<hbm>>
        tpu.enqueue_indirect_dma source(%dma_start3A_65 : memref<10000x128xf32, #tpu.memory_space<hbm>>) target(%dma_start3A_59 : memref<128x128xf32, #tpu.memory_space<vmem>>) offsets(%dma_start3A_62 : memref<128xi32, #tpu.memory_space<vmem>>) semaphore(%arg11 : memref<!tpu.dma_semaphore, #tpu.memory_space<semaphore_mem>>)
        %add3A_66 = arith.constant 1 : i32
        %add3A_67 = arith.addi %mul3A_55, %add3A_66 : i32
        %dma_start3A_68 = arith.constant 1 : i32
        %dma_start3A_69 = arith.constant 0 : i32
        %dma_start3A_70 = arith.constant 0 : i32
        %dma_start3A_71 = tpu.memref_slice %arg9[%dma_start3A_68, %dma_start3A_69, %dma_start3A_70] : memref<2x128x128xf32, #tpu.memory_space<vmem>> -> memref<1x128x128xf32, #tpu.memory_space<vmem>>
        %dma_start3A_72 = tpu.memref_squeeze %dma_start3A_71 : memref<1x128x128xf32, #tpu.memory_space<vmem>> -> memref<128x128xf32, #tpu.memory_space<vmem>>
        %dma_start3A_73 = arith.constant 0 : i32
        %dma_start3A_74 = tpu.memref_slice %arg7[%add3A_67, %dma_start3A_73] : memref<48x128xi32, #tpu.memory_space<vmem>> -> memref<1x128xi32, #tpu.memory_space<vmem>>
        %dma_start3A_75 = tpu.memref_squeeze %dma_start3A_74 : memref<1x128xi32, #tpu.memory_space<vmem>> -> memref<128xi32, #tpu.memory_space<vmem>>
        %dma_start3A_76 = arith.constant 0 : i32
        %dma_start3A_77 = arith.constant 0 : i32
        %dma_start3A_78 = tpu.memref_slice %arg4[%dma_start3A_76, %dma_start3A_77] : memref<10000x128xf32, #tpu.memory_space<hbm>> -> memref<10000x128xf32, #tpu.memory_space<hbm>>
        tpu.enqueue_indirect_dma source(%dma_start3A_78 : memref<10000x128xf32, #tpu.memory_space<hbm>>) target(%dma_start3A_72 : memref<128x128xf32, #tpu.memory_space<vmem>>) offsets(%dma_start3A_75 : memref<128xi32, #tpu.memory_space<vmem>>) semaphore(%arg11 : memref<!tpu.dma_semaphore, #tpu.memory_space<semaphore_mem>>)
        %dma_wait3A = arith.constant 0 : i32
        %dma_wait3A_79 = arith.constant 0 : i32
        %dma_wait3A_80 = arith.constant 0 : i32
        %dma_wait3A_81 = tpu.memref_slice %arg9[%dma_wait3A, %dma_wait3A_79, %dma_wait3A_80] : memref<2x128x128xf32, #tpu.memory_space<vmem>> -> memref<1x128x128xf32, #tpu.memory_space<vmem>>
        %dma_wait3A_82 = tpu.memref_squeeze %dma_wait3A_81 : memref<1x128x128xf32, #tpu.memory_space<vmem>> -> memref<128x128xf32, #tpu.memory_space<vmem>>
        %dma_wait3A_83 = arith.constant 0 : i32
        %dma_wait3A_84 = tpu.memref_slice %arg7[%mul3A_55, %dma_wait3A_83] : memref<48x128xi32, #tpu.memory_space<vmem>> -> memref<1x128xi32, #tpu.memory_space<vmem>>
        %dma_wait3A_85 = tpu.memref_squeeze %dma_wait3A_84 : memref<1x128xi32, #tpu.memory_space<vmem>> -> memref<128xi32, #tpu.memory_space<vmem>>
        %dma_wait3A_86 = arith.constant 0 : i32
        %dma_wait3A_87 = arith.constant 0 : i32
        %dma_wait3A_88 = tpu.memref_slice %arg4[%dma_wait3A_86, %dma_wait3A_87] : memref<10000x128xf32, #tpu.memory_space<hbm>> -> memref<10000x128xf32, #tpu.memory_space<hbm>>
        tpu.wait_indirect_dma semaphore(%arg11 : memref<!tpu.dma_semaphore, #tpu.memory_space<semaphore_mem>>) src(%dma_wait3A_88 : memref<10000x128xf32, #tpu.memory_space<hbm>>) dst(%dma_wait3A_82 : memref<128x128xf32, #tpu.memory_space<vmem>>)
        %dma_wait3A_89 = arith.constant 1 : i32
        %dma_wait3A_90 = arith.constant 0 : i32
        %dma_wait3A_91 = arith.constant 0 : i32
        %dma_wait3A_92 = tpu.memref_slice %arg9[%dma_wait3A_89, %dma_wait3A_90, %dma_wait3A_91] : memref<2x128x128xf32, #tpu.memory_space<vmem>> -> memref<1x128x128xf32, #tpu.memory_space<vmem>>
        %dma_wait3A_93 = tpu.memref_squeeze %dma_wait3A_92 : memref<1x128x128xf32, #tpu.memory_space<vmem>> -> memref<128x128xf32, #tpu.memory_space<vmem>>
        %dma_wait3A_94 = arith.constant 0 : i32
        %dma_wait3A_95 = tpu.memref_slice %arg7[%add3A_67, %dma_wait3A_94] : memref<48x128xi32, #tpu.memory_space<vmem>> -> memref<1x128xi32, #tpu.memory_space<vmem>>
        %dma_wait3A_96 = tpu.memref_squeeze %dma_wait3A_95 : memref<1x128xi32, #tpu.memory_space<vmem>> -> memref<128xi32, #tpu.memory_space<vmem>>
        %dma_wait3A_97 = arith.constant 0 : i32
        %dma_wait3A_98 = arith.constant 0 : i32
        %dma_wait3A_99 = tpu.memref_slice %arg4[%dma_wait3A_97, %dma_wait3A_98] : memref<10000x128xf32, #tpu.memory_space<hbm>> -> memref<10000x128xf32, #tpu.memory_space<hbm>>
        tpu.wait_indirect_dma semaphore(%arg11 : memref<!tpu.dma_semaphore, #tpu.memory_space<semaphore_mem>>) src(%dma_wait3A_99 : memref<10000x128xf32, #tpu.memory_space<hbm>>) dst(%dma_wait3A_93 : memref<128x128xf32, #tpu.memory_space<vmem>>)
        %dma_start3A_100 = arith.constant 0 : i32
        %dma_start3A_101 = arith.constant 0 : i32
        %dma_start3A_102 = arith.constant 0 : i32
        %dma_start3A_103 = tpu.memref_slice %arg9[%dma_start3A_100, %dma_start3A_101, %dma_start3A_102] : memref<2x128x128xf32, #tpu.memory_space<vmem>> -> memref<1x128x128xf32, #tpu.memory_space<vmem>>
        %dma_start3A_104 = tpu.memref_squeeze %dma_start3A_103 : memref<1x128x128xf32, #tpu.memory_space<vmem>> -> memref<128x128xf32, #tpu.memory_space<vmem>>
        %dma_start3A_105 = arith.constant 0 : i32
        %dma_start3A_106 = tpu.memref_slice %arg8[%mul3A_55, %dma_start3A_105] : memref<48x128xi32, #tpu.memory_space<vmem>> -> memref<1x128xi32, #tpu.memory_space<vmem>>
        %dma_start3A_107 = tpu.memref_squeeze %dma_start3A_106 : memref<1x128xi32, #tpu.memory_space<vmem>> -> memref<128xi32, #tpu.memory_space<vmem>>
        %dma_start3A_108 = arith.constant 0 : i32
        %dma_start3A_109 = arith.constant 0 : i32
        %dma_start3A_110 = tpu.memref_slice %arg10[%dma_start3A_108, %dma_start3A_109] : memref<10112x128xf32, #tpu.memory_space<vmem_shared>> -> memref<10112x128xf32, #tpu.memory_space<vmem_shared>>
        tpu.enqueue_indirect_dma source(%dma_start3A_104 : memref<128x128xf32, #tpu.memory_space<vmem>>) target(%dma_start3A_110 : memref<10112x128xf32, #tpu.memory_space<vmem_shared>>) offsets(%dma_start3A_107 : memref<128xi32, #tpu.memory_space<vmem>>) semaphore(%arg12 : memref<!tpu.dma_semaphore, #tpu.memory_space<semaphore_mem>>) {add = true}
        %add3A_111 = arith.constant 1 : i32
        %add3A_112 = arith.addi %mul3A_55, %add3A_111 : i32
        %dma_start3A_113 = arith.constant 1 : i32
        %dma_start3A_114 = arith.constant 0 : i32
        %dma_start3A_115 = arith.constant 0 : i32
        %dma_start3A_116 = tpu.memref_slice %arg9[%dma_start3A_113, %dma_start3A_114, %dma_start3A_115] : memref<2x128x128xf32, #tpu.memory_space<vmem>> -> memref<1x128x128xf32, #tpu.memory_space<vmem>>
        %dma_start3A_117 = tpu.memref_squeeze %dma_start3A_116 : memref<1x128x128xf32, #tpu.memory_space<vmem>> -> memref<128x128xf32, #tpu.memory_space<vmem>>
        %dma_start3A_118 = arith.constant 0 : i32
        %dma_start3A_119 = tpu.memref_slice %arg8[%add3A_112, %dma_start3A_118] : memref<48x128xi32, #tpu.memory_space<vmem>> -> memref<1x128xi32, #tpu.memory_space<vmem>>
        %dma_start3A_120 = tpu.memref_squeeze %dma_start3A_119 : memref<1x128xi32, #tpu.memory_space<vmem>> -> memref<128xi32, #tpu.memory_space<vmem>>
        %dma_start3A_121 = arith.constant 0 : i32
        %dma_start3A_122 = arith.constant 0 : i32
        %dma_start3A_123 = tpu.memref_slice %arg10[%dma_start3A_121, %dma_start3A_122] : memref<10112x128xf32, #tpu.memory_space<vmem_shared>> -> memref<10112x128xf32, #tpu.memory_space<vmem_shared>>
        tpu.enqueue_indirect_dma source(%dma_start3A_117 : memref<128x128xf32, #tpu.memory_space<vmem>>) target(%dma_start3A_123 : memref<10112x128xf32, #tpu.memory_space<vmem_shared>>) offsets(%dma_start3A_120 : memref<128xi32, #tpu.memory_space<vmem>>) semaphore(%arg12 : memref<!tpu.dma_semaphore, #tpu.memory_space<semaphore_mem>>) {add = true}
        %dma_wait3A_124 = arith.constant 0 : i32
        %dma_wait3A_125 = arith.constant 0 : i32
        %dma_wait3A_126 = arith.constant 0 : i32
        %dma_wait3A_127 = tpu.memref_slice %arg9[%dma_wait3A_124, %dma_wait3A_125, %dma_wait3A_126] : memref<2x128x128xf32, #tpu.memory_space<vmem>> -> memref<1x128x128xf32, #tpu.memory_space<vmem>>
        %dma_wait3A_128 = tpu.memref_squeeze %dma_wait3A_127 : memref<1x128x128xf32, #tpu.memory_space<vmem>> -> memref<128x128xf32, #tpu.memory_space<vmem>>
        %dma_wait3A_129 = arith.constant 0 : i32
        %dma_wait3A_130 = tpu.memref_slice %arg8[%mul3A_55, %dma_wait3A_129] : memref<48x128xi32, #tpu.memory_space<vmem>> -> memref<1x128xi32, #tpu.memory_space<vmem>>
        %dma_wait3A_131 = tpu.memref_squeeze %dma_wait3A_130 : memref<1x128xi32, #tpu.memory_space<vmem>> -> memref<128xi32, #tpu.memory_space<vmem>>
        %dma_wait3A_132 = arith.constant 0 : i32
        %dma_wait3A_133 = arith.constant 0 : i32
        %dma_wait3A_134 = tpu.memref_slice %arg10[%dma_wait3A_132, %dma_wait3A_133] : memref<10112x128xf32, #tpu.memory_space<vmem_shared>> -> memref<10112x128xf32, #tpu.memory_space<vmem_shared>>
        tpu.wait_indirect_dma semaphore(%arg12 : memref<!tpu.dma_semaphore, #tpu.memory_space<semaphore_mem>>) src(%dma_wait3A_128 : memref<128x128xf32, #tpu.memory_space<vmem>>) dst(%dma_wait3A_134 : memref<10112x128xf32, #tpu.memory_space<vmem_shared>>)
        %dma_wait3A_135 = arith.constant 1 : i32
        %dma_wait3A_136 = arith.constant 0 : i32
        %dma_wait3A_137 = arith.constant 0 : i32
        %dma_wait3A_138 = tpu.memref_slice %arg9[%dma_wait3A_135, %dma_wait3A_136, %dma_wait3A_137] : memref<2x128x128xf32, #tpu.memory_space<vmem>> -> memref<1x128x128xf32, #tpu.memory_space<vmem>>
        %dma_wait3A_139 = tpu.memref_squeeze %dma_wait3A_138 : memref<1x128x128xf32, #tpu.memory_space<vmem>> -> memref<128x128xf32, #tpu.memory_space<vmem>>
        %dma_wait3A_140 = arith.constant 0 : i32
        %dma_wait3A_141 = tpu.memref_slice %arg8[%add3A_112, %dma_wait3A_140] : memref<48x128xi32, #tpu.memory_space<vmem>> -> memref<1x128xi32, #tpu.memory_space<vmem>>
        %dma_wait3A_142 = tpu.memref_squeeze %dma_wait3A_141 : memref<1x128xi32, #tpu.memory_space<vmem>> -> memref<128xi32, #tpu.memory_space<vmem>>
        %dma_wait3A_143 = arith.constant 0 : i32
        %dma_wait3A_144 = arith.constant 0 : i32
        %dma_wait3A_145 = tpu.memref_slice %arg10[%dma_wait3A_143, %dma_wait3A_144] : memref<10112x128xf32, #tpu.memory_space<vmem_shared>> -> memref<10112x128xf32, #tpu.memory_space<vmem_shared>>
        tpu.wait_indirect_dma semaphore(%arg12 : memref<!tpu.dma_semaphore, #tpu.memory_space<semaphore_mem>>) src(%dma_wait3A_139 : memref<128x128xf32, #tpu.memory_space<vmem>>) dst(%dma_wait3A_145 : memref<10112x128xf32, #tpu.memory_space<vmem_shared>>)
      }
      %while3A_52 = arith.constant 1 : i32
      scf.for %while3A_53 = %while3A_50 to %while3A_46 step %while3A_52  : i32 {
        %mul3A_54 = arith.constant 2 : i32
        %mul3A_55 = arith.muli %mul3A_54, %while3A_53 : i32
        %dma_start3A = arith.constant 0 : i32
        %dma_start3A_56 = arith.constant 0 : i32
        %dma_start3A_57 = arith.constant 0 : i32
        %dma_start3A_58 = tpu.memref_slice %arg9[%dma_start3A, %dma_start3A_56, %dma_start3A_57] : memref<2x128x128xf32, #tpu.memory_space<vmem>> -> memref<1x128x128xf32, #tpu.memory_space<vmem>>
        %dma_start3A_59 = tpu.memref_squeeze %dma_start3A_58 : memref<1x128x128xf32, #tpu.memory_space<vmem>> -> memref<128x128xf32, #tpu.memory_space<vmem>>
        %dma_start3A_60 = arith.constant 0 : i32
        %dma_start3A_61 = tpu.memref_slice %arg7[%mul3A_55, %dma_start3A_60] : memref<48x128xi32, #tpu.memory_space<vmem>> -> memref<1x128xi32, #tpu.memory_space<vmem>>
        %dma_start3A_62 = tpu.memref_squeeze %dma_start3A_61 : memref<1x128xi32, #tpu.memory_space<vmem>> -> memref<128xi32, #tpu.memory_space<vmem>>
        %dma_start3A_63 = arith.constant 0 : i32
        %dma_start3A_64 = arith.constant 0 : i32
        %dma_start3A_65 = tpu.memref_slice %arg4[%dma_start3A_63, %dma_start3A_64] : memref<10000x128xf32, #tpu.memory_space<hbm>> -> memref<10000x128xf32, #tpu.memory_space<hbm>>
        tpu.enqueue_indirect_dma source(%dma_start3A_65 : memref<10000x128xf32, #tpu.memory_space<hbm>>) target(%dma_start3A_59 : memref<128x128xf32, #tpu.memory_space<vmem>>) offsets(%dma_start3A_62 : memref<128xi32, #tpu.memory_space<vmem>>) semaphore(%arg11 : memref<!tpu.dma_semaphore, #tpu.memory_space<semaphore_mem>>)
        %add3A_66 = arith.constant 1 : i32
        %add3A_67 = arith.addi %mul3A_55, %add3A_66 : i32
        %dma_start3A_68 = arith.constant 1 : i32
        %dma_start3A_69 = arith.constant 0 : i32
        %dma_start3A_70 = arith.constant 0 : i32
        %dma_start3A_71 = tpu.memref_slice %arg9[%dma_start3A_68, %dma_start3A_69, %dma_start3A_70] : memref<2x128x128xf32, #tpu.memory_space<vmem>> -> memref<1x128x128xf32, #tpu.memory_space<vmem>>
        %dma_start3A_72 = tpu.memref_squeeze %dma_start3A_71 : memref<1x128x128xf32, #tpu.memory_space<vmem>> -> memref<128x128xf32, #tpu.memory_space<vmem>>
        %dma_start3A_73 = arith.constant 0 : i32
        %dma_start3A_74 = tpu.memref_slice %arg7[%add3A_67, %dma_start3A_73] : memref<48x128xi32, #tpu.memory_space<vmem>> -> memref<1x128xi32, #tpu.memory_space<vmem>>
        %dma_start3A_75 = tpu.memref_squeeze %dma_start3A_74 : memref<1x128xi32, #tpu.memory_space<vmem>> -> memref<128xi32, #tpu.memory_space<vmem>>
        %dma_start3A_76 = arith.constant 0 : i32
        %dma_start3A_77 = arith.constant 0 : i32
        %dma_start3A_78 = tpu.memref_slice %arg4[%dma_start3A_76, %dma_start3A_77] : memref<10000x128xf32, #tpu.memory_space<hbm>> -> memref<10000x128xf32, #tpu.memory_space<hbm>>
        tpu.enqueue_indirect_dma source(%dma_start3A_78 : memref<10000x128xf32, #tpu.memory_space<hbm>>) target(%dma_start3A_72 : memref<128x128xf32, #tpu.memory_space<vmem>>) offsets(%dma_start3A_75 : memref<128xi32, #tpu.memory_space<vmem>>) semaphore(%arg11 : memref<!tpu.dma_semaphore, #tpu.memory_space<semaphore_mem>>)
        %dma_wait3A = arith.constant 0 : i32
        %dma_wait3A_79 = arith.constant 0 : i32
        %dma_wait3A_80 = arith.constant 0 : i32
        %dma_wait3A_81 = tpu.memref_slice %arg9[%dma_wait3A, %dma_wait3A_79, %dma_wait3A_80] : memref<2x128x128xf32, #tpu.memory_space<vmem>> -> memref<1x128x128xf32, #tpu.memory_space<vmem>>
        %dma_wait3A_82 = tpu.memref_squeeze %dma_wait3A_81 : memref<1x128x128xf32, #tpu.memory_space<vmem>> -> memref<128x128xf32, #tpu.memory_space<vmem>>
        %dma_wait3A_83 = arith.constant 0 : i32
        %dma_wait3A_84 = tpu.memref_slice %arg7[%mul3A_55, %dma_wait3A_83] : memref<48x128xi32, #tpu.memory_space<vmem>> -> memref<1x128xi32, #tpu.memory_space<vmem>>
        %dma_wait3A_85 = tpu.memref_squeeze %dma_wait3A_84 : memref<1x128xi32, #tpu.memory_space<vmem>> -> memref<128xi32, #tpu.memory_space<vmem>>
        %dma_wait3A_86 = arith.constant 0 : i32
        %dma_wait3A_87 = arith.constant 0 : i32
        %dma_wait3A_88 = tpu.memref_slice %arg4[%dma_wait3A_86, %dma_wait3A_87] : memref<10000x128xf32, #tpu.memory_space<hbm>> -> memref<10000x128xf32, #tpu.memory_space<hbm>>
        tpu.wait_indirect_dma semaphore(%arg11 : memref<!tpu.dma_semaphore, #tpu.memory_space<semaphore_mem>>) src(%dma_wait3A_88 : memref<10000x128xf32, #tpu.memory_space<hbm>>) dst(%dma_wait3A_82 : memref<128x128xf32, #tpu.memory_space<vmem>>)
        %dma_wait3A_89 = arith.constant 1 : i32
        %dma_wait3A_90 = arith.constant 0 : i32
        %dma_wait3A_91 = arith.constant 0 : i32
        %dma_wait3A_92 = tpu.memref_slice %arg9[%dma_wait3A_89, %dma_wait3A_90, %dma_wait3A_91] : memref<2x128x128xf32, #tpu.memory_space<vmem>> -> memref<1x128x128xf32, #tpu.memory_space<vmem>>
        %dma_wait3A_93 = tpu.memref_squeeze %dma_wait3A_92 : memref<1x128x128xf32, #tpu.memory_space<vmem>> -> memref<128x128xf32, #tpu.memory_space<vmem>>
        %dma_wait3A_94 = arith.constant 0 : i32
        %dma_wait3A_95 = tpu.memref_slice %arg7[%add3A_67, %dma_wait3A_94] : memref<48x128xi32, #tpu.memory_space<vmem>> -> memref<1x128xi32, #tpu.memory_space<vmem>>
        %dma_wait3A_96 = tpu.memref_squeeze %dma_wait3A_95 : memref<1x128xi32, #tpu.memory_space<vmem>> -> memref<128xi32, #tpu.memory_space<vmem>>
        %dma_wait3A_97 = arith.constant 0 : i32
        %dma_wait3A_98 = arith.constant 0 : i32
        %dma_wait3A_99 = tpu.memref_slice %arg4[%dma_wait3A_97, %dma_wait3A_98] : memref<10000x128xf32, #tpu.memory_space<hbm>> -> memref<10000x128xf32, #tpu.memory_space<hbm>>
        tpu.wait_indirect_dma semaphore(%arg11 : memref<!tpu.dma_semaphore, #tpu.memory_space<semaphore_mem>>) src(%dma_wait3A_99 : memref<10000x128xf32, #tpu.memory_space<hbm>>) dst(%dma_wait3A_93 : memref<128x128xf32, #tpu.memory_space<vmem>>)
        %dma_start3A_100 = arith.constant 0 : i32
        %dma_start3A_101 = arith.constant 0 : i32
        %dma_start3A_102 = arith.constant 0 : i32
        %dma_start3A_103 = tpu.memref_slice %arg9[%dma_start3A_100, %dma_start3A_101, %dma_start3A_102] : memref<2x128x128xf32, #tpu.memory_space<vmem>> -> memref<1x128x128xf32, #tpu.memory_space<vmem>>
        %dma_start3A_104 = tpu.memref_squeeze %dma_start3A_103 : memref<1x128x128xf32, #tpu.memory_space<vmem>> -> memref<128x128xf32, #tpu.memory_space<vmem>>
        %dma_start3A_105 = arith.constant 0 : i32
        %dma_start3A_106 = tpu.memref_slice %arg8[%mul3A_55, %dma_start3A_105] : memref<48x128xi32, #tpu.memory_space<vmem>> -> memref<1x128xi32, #tpu.memory_space<vmem>>
        %dma_start3A_107 = tpu.memref_squeeze %dma_start3A_106 : memref<1x128xi32, #tpu.memory_space<vmem>> -> memref<128xi32, #tpu.memory_space<vmem>>
        %dma_start3A_108 = arith.constant 0 : i32
        %dma_start3A_109 = arith.constant 0 : i32
        %dma_start3A_110 = tpu.memref_slice %arg10[%dma_start3A_108, %dma_start3A_109] : memref<10112x128xf32, #tpu.memory_space<vmem_shared>> -> memref<10112x128xf32, #tpu.memory_space<vmem_shared>>
        tpu.enqueue_indirect_dma source(%dma_start3A_104 : memref<128x128xf32, #tpu.memory_space<vmem>>) target(%dma_start3A_110 : memref<10112x128xf32, #tpu.memory_space<vmem_shared>>) offsets(%dma_start3A_107 : memref<128xi32, #tpu.memory_space<vmem>>) semaphore(%arg12 : memref<!tpu.dma_semaphore, #tpu.memory_space<semaphore_mem>>) {add = true}
        %add3A_111 = arith.constant 1 : i32
        %add3A_112 = arith.addi %mul3A_55, %add3A_111 : i32
        %dma_start3A_113 = arith.constant 1 : i32
        %dma_start3A_114 = arith.constant 0 : i32
        %dma_start3A_115 = arith.constant 0 : i32
        %dma_start3A_116 = tpu.memref_slice %arg9[%dma_start3A_113, %dma_start3A_114, %dma_start3A_115] : memref<2x128x128xf32, #tpu.memory_space<vmem>> -> memref<1x128x128xf32, #tpu.memory_space<vmem>>
        %dma_start3A_117 = tpu.memref_squeeze %dma_start3A_116 : memref<1x128x128xf32, #tpu.memory_space<vmem>> -> memref<128x128xf32, #tpu.memory_space<vmem>>
        %dma_start3A_118 = arith.constant 0 : i32
        %dma_start3A_119 = tpu.memref_slice %arg8[%add3A_112, %dma_start3A_118] : memref<48x128xi32, #tpu.memory_space<vmem>> -> memref<1x128xi32, #tpu.memory_space<vmem>>
        %dma_start3A_120 = tpu.memref_squeeze %dma_start3A_119 : memref<1x128xi32, #tpu.memory_space<vmem>> -> memref<128xi32, #tpu.memory_space<vmem>>
        %dma_start3A_121 = arith.constant 0 : i32
        %dma_start3A_122 = arith.constant 0 : i32
        %dma_start3A_123 = tpu.memref_slice %arg10[%dma_start3A_121, %dma_start3A_122] : memref<10112x128xf32, #tpu.memory_space<vmem_shared>> -> memref<10112x128xf32, #tpu.memory_space<vmem_shared>>
        tpu.enqueue_indirect_dma source(%dma_start3A_117 : memref<128x128xf32, #tpu.memory_space<vmem>>) target(%dma_start3A_123 : memref<10112x128xf32, #tpu.memory_space<vmem_shared>>) offsets(%dma_start3A_120 : memref<128xi32, #tpu.memory_space<vmem>>) semaphore(%arg12 : memref<!tpu.dma_semaphore, #tpu.memory_space<semaphore_mem>>) {add = true}
        %dma_wait3A_124 = arith.constant 0 : i32
        %dma_wait3A_125 = arith.constant 0 : i32
        %dma_wait3A_126 = arith.constant 0 : i32
        %dma_wait3A_127 = tpu.memref_slice %arg9[%dma_wait3A_124, %dma_wait3A_125, %dma_wait3A_126] : memref<2x128x128xf32, #tpu.memory_space<vmem>> -> memref<1x128x128xf32, #tpu.memory_space<vmem>>
        %dma_wait3A_128 = tpu.memref_squeeze %dma_wait3A_127 : memref<1x128x128xf32, #tpu.memory_space<vmem>> -> memref<128x128xf32, #tpu.memory_space<vmem>>
        %dma_wait3A_129 = arith.constant 0 : i32
        %dma_wait3A_130 = tpu.memref_slice %arg8[%mul3A_55, %dma_wait3A_129] : memref<48x128xi32, #tpu.memory_space<vmem>> -> memref<1x128xi32, #tpu.memory_space<vmem>>
        %dma_wait3A_131 = tpu.memref_squeeze %dma_wait3A_130 : memref<1x128xi32, #tpu.memory_space<vmem>> -> memref<128xi32, #tpu.memory_space<vmem>>
        %dma_wait3A_132 = arith.constant 0 : i32
        %dma_wait3A_133 = arith.constant 0 : i32
        %dma_wait3A_134 = tpu.memref_slice %arg10[%dma_wait3A_132, %dma_wait3A_133] : memref<10112x128xf32, #tpu.memory_space<vmem_shared>> -> memref<10112x128xf32, #tpu.memory_space<vmem_shared>>
        tpu.wait_indirect_dma semaphore(%arg12 : memref<!tpu.dma_semaphore, #tpu.memory_space<semaphore_mem>>) src(%dma_wait3A_128 : memref<128x128xf32, #tpu.memory_space<vmem>>) dst(%dma_wait3A_134 : memref<10112x128xf32, #tpu.memory_space<vmem_shared>>)
        %dma_wait3A_135 = arith.constant 1 : i32
        %dma_wait3A_136 = arith.constant 0 : i32
        %dma_wait3A_137 = arith.constant 0 : i32
        %dma_wait3A_138 = tpu.memref_slice %arg9[%dma_wait3A_135, %dma_wait3A_136, %dma_wait3A_137] : memref<2x128x128xf32, #tpu.memory_space<vmem>> -> memref<1x128x128xf32, #tpu.memory_space<vmem>>
        %dma_wait3A_139 = tpu.memref_squeeze %dma_wait3A_138 : memref<1x128x128xf32, #tpu.memory_space<vmem>> -> memref<128x128xf32, #tpu.memory_space<vmem>>
        %dma_wait3A_140 = arith.constant 0 : i32
        %dma_wait3A_141 = tpu.memref_slice %arg8[%add3A_112, %dma_wait3A_140] : memref<48x128xi32, #tpu.memory_space<vmem>> -> memref<1x128xi32, #tpu.memory_space<vmem>>
        %dma_wait3A_142 = tpu.memref_squeeze %dma_wait3A_141 : memref<1x128xi32, #tpu.memory_space<vmem>> -> memref<128xi32, #tpu.memory_space<vmem>>
        %dma_wait3A_143 = arith.constant 0 : i32
        %dma_wait3A_144 = arith.constant 0 : i32
        %dma_wait3A_145 = tpu.memref_slice %arg10[%dma_wait3A_143, %dma_wait3A_144] : memref<10112x128xf32, #tpu.memory_space<vmem_shared>> -> memref<10112x128xf32, #tpu.memory_space<vmem_shared>>
        tpu.wait_indirect_dma semaphore(%arg12 : memref<!tpu.dma_semaphore, #tpu.memory_space<semaphore_mem>>) src(%dma_wait3A_139 : memref<128x128xf32, #tpu.memory_space<vmem>>) dst(%dma_wait3A_145 : memref<10112x128xf32, #tpu.memory_space<vmem_shared>>)
      }
    } else {
    }
    %convert_element_type3A_16 = arith.extui %eq3A_0 : i1 to i32
    %cond3A_17 = arith.constant 0 : i32
    %cond3A_18 = arith.cmpi ne, %convert_element_type3A_16, %cond3A_17 : i32
    scf.if %cond3A_18 {
      %add3A_24 = arith.constant 96 : i32
      %add3A_25 = arith.addi %select_n3A_6, %add3A_24 : i32
      "tpu.region"() ({
        %run_scoped3A = tpu.sem_alloc : memref<!tpu.dma_semaphore, #tpu.memory_space<semaphore_mem>>
        %dma_start3A = arith.constant 0 : i32
        %dma_start3A_53 = tpu.memref_slice %arg2[%add3A_25, %dma_start3A] : memref<2624x128xi32, #tpu.memory_space<hbm>> -> memref<48x128xi32, #tpu.memory_space<hbm>>
        %dma_start3A_54 = arith.constant 0 : i32
        %dma_start3A_55 = tpu.memref_slice %arg2[%add3A_25, %dma_start3A_54] : memref<2624x128xi32, #tpu.memory_space<hbm>> -> memref<48x128xi32, #tpu.memory_space<hbm>>
        tpu.enqueue_dma source(%dma_start3A_55 : memref<48x128xi32, #tpu.memory_space<hbm>>) target(%arg7 : memref<48x128xi32, #tpu.memory_space<vmem>>) target_semaphore(%run_scoped3A : memref<!tpu.dma_semaphore, #tpu.memory_space<semaphore_mem>>)
        %dma_wait3A = arith.constant 0 : i32
        %dma_wait3A_56 = tpu.memref_slice %arg2[%add3A_25, %dma_wait3A] : memref<2624x128xi32, #tpu.memory_space<hbm>> -> memref<48x128xi32, #tpu.memory_space<hbm>>
        %dma_wait3A_57 = arith.constant 0 : i32
        %dma_wait3A_58 = tpu.memref_slice %arg2[%add3A_25, %dma_wait3A_57] : memref<2624x128xi32, #tpu.memory_space<hbm>> -> memref<48x128xi32, #tpu.memory_space<hbm>>
        tpu.wait_dma2 semaphore(%run_scoped3A : memref<!tpu.dma_semaphore, #tpu.memory_space<semaphore_mem>>) src(%dma_wait3A_58 : memref<48x128xi32, #tpu.memory_space<hbm>>) dst(%arg7 : memref<48x128xi32, #tpu.memory_space<vmem>>)
        tpu.yield
      }) : () -> ()
      "tpu.region"() ({
        %run_scoped3A = tpu.sem_alloc : memref<!tpu.dma_semaphore, #tpu.memory_space<semaphore_mem>>
        %dma_start3A = arith.constant 0 : i32
        %dma_start3A_53 = tpu.memref_slice %arg3[%add3A_25, %dma_start3A] : memref<2624x128xi32, #tpu.memory_space<hbm>> -> memref<48x128xi32, #tpu.memory_space<hbm>>
        %dma_start3A_54 = arith.constant 0 : i32
        %dma_start3A_55 = tpu.memref_slice %arg3[%add3A_25, %dma_start3A_54] : memref<2624x128xi32, #tpu.memory_space<hbm>> -> memref<48x128xi32, #tpu.memory_space<hbm>>
        tpu.enqueue_dma source(%dma_start3A_55 : memref<48x128xi32, #tpu.memory_space<hbm>>) target(%arg8 : memref<48x128xi32, #tpu.memory_space<vmem>>) target_semaphore(%run_scoped3A : memref<!tpu.dma_semaphore, #tpu.memory_space<semaphore_mem>>)
        %dma_wait3A = arith.constant 0 : i32
        %dma_wait3A_56 = tpu.memref_slice %arg3[%add3A_25, %dma_wait3A] : memref<2624x128xi32, #tpu.memory_space<hbm>> -> memref<48x128xi32, #tpu.memory_space<hbm>>
        %dma_wait3A_57 = arith.constant 0 : i32
        %dma_wait3A_58 = tpu.memref_slice %arg3[%add3A_25, %dma_wait3A_57] : memref<2624x128xi32, #tpu.memory_space<hbm>> -> memref<48x128xi32, #tpu.memory_space<hbm>>
        tpu.wait_dma2 semaphore(%run_scoped3A : memref<!tpu.dma_semaphore, #tpu.memory_space<semaphore_mem>>) src(%dma_wait3A_58 : memref<48x128xi32, #tpu.memory_space<hbm>>) dst(%arg8 : memref<48x128xi32, #tpu.memory_space<vmem>>)
        tpu.yield
      }) : () -> ()
      %jit3A_26 = arith.constant 2 : i32
      %div3A = arith.divsi %select_n3A, %jit3A_26 : i32
      %sign3A = arith.constant 0 : i32
      %sign3A_27 = arith.cmpi sgt, %select_n3A, %sign3A : i32
      %sign3A_28 = arith.extui %sign3A_27 : i1 to i32
      %sign3A_29 = arith.constant 0 : i32
      %sign3A_30 = arith.cmpi slt, %select_n3A, %sign3A_29 : i32
      %sign3A_31 = arith.extui %sign3A_30 : i1 to i32
      %sign3A_32 = arith.subi %sign3A_28, %sign3A_31 : i32
      %sign3A_33 = arith.constant 0 : i32
      %sign3A_34 = arith.cmpi sgt, %jit3A_26, %sign3A_33 : i32
      %sign3A_35 = arith.extui %sign3A_34 : i1 to i32
      %sign3A_36 = arith.constant 0 : i32
      %sign3A_37 = arith.cmpi slt, %jit3A_26, %sign3A_36 : i32
      %sign3A_38 = arith.extui %sign3A_37 : i1 to i32
      %sign3A_39 = arith.subi %sign3A_35, %sign3A_38 : i32
      %ne3A = arith.cmpi ne, %sign3A_32, %sign3A_39 : i32
      %rem3A = arith.remsi %select_n3A, %jit3A_26 : i32
      %ne3A_40 = arith.constant 0 : i32
      %ne3A_41 = arith.cmpi ne, %rem3A, %ne3A_40 : i32
      %and3A = arith.andi %ne3A, %ne3A_41 : i1
      %sub3A = arith.constant 1 : i32
      %sub3A_42 = arith.subi %div3A, %sub3A : i32
      %select_n3A_43 = arith.select %and3A, %sub3A_42, %div3A : i32
      %while3A = arith.constant 0 : i32
      %while3A_44 = arith.constant 0 : i32
      %while3A_45 = arith.subi %select_n3A_43, %while3A_44 : i32
      %while3A_46 = arith.addi %while3A_44, %while3A_45 : i32
      %while3A_47 = arith.constant 1 : i32
      %while3A_48 = arith.divsi %while3A_45, %while3A_47 : i32
      %while3A_49 = arith.muli %while3A_48, %while3A_47 : i32
      %while3A_50 = arith.addi %while3A_44, %while3A_49 : i32
      %while3A_51 = arith.constant 1 : i32
      scf.for %while3A_53 = %while3A_44 to %while3A_50 step %while3A_51  : i32 {
        %mul3A_54 = arith.constant 2 : i32
        %mul3A_55 = arith.muli %mul3A_54, %while3A_53 : i32
        %dma_start3A = arith.constant 0 : i32
        %dma_start3A_56 = arith.constant 0 : i32
        %dma_start3A_57 = arith.constant 0 : i32
        %dma_start3A_58 = tpu.memref_slice %arg9[%dma_start3A, %dma_start3A_56, %dma_start3A_57] : memref<2x128x128xf32, #tpu.memory_space<vmem>> -> memref<1x128x128xf32, #tpu.memory_space<vmem>>
        %dma_start3A_59 = tpu.memref_squeeze %dma_start3A_58 : memref<1x128x128xf32, #tpu.memory_space<vmem>> -> memref<128x128xf32, #tpu.memory_space<vmem>>
        %dma_start3A_60 = arith.constant 0 : i32
        %dma_start3A_61 = tpu.memref_slice %arg7[%mul3A_55, %dma_start3A_60] : memref<48x128xi32, #tpu.memory_space<vmem>> -> memref<1x128xi32, #tpu.memory_space<vmem>>
        %dma_start3A_62 = tpu.memref_squeeze %dma_start3A_61 : memref<1x128xi32, #tpu.memory_space<vmem>> -> memref<128xi32, #tpu.memory_space<vmem>>
        %dma_start3A_63 = arith.constant 0 : i32
        %dma_start3A_64 = arith.constant 0 : i32
        %dma_start3A_65 = tpu.memref_slice %arg4[%dma_start3A_63, %dma_start3A_64] : memref<10000x128xf32, #tpu.memory_space<hbm>> -> memref<10000x128xf32, #tpu.memory_space<hbm>>
        tpu.enqueue_indirect_dma source(%dma_start3A_65 : memref<10000x128xf32, #tpu.memory_space<hbm>>) target(%dma_start3A_59 : memref<128x128xf32, #tpu.memory_space<vmem>>) offsets(%dma_start3A_62 : memref<128xi32, #tpu.memory_space<vmem>>) semaphore(%arg11 : memref<!tpu.dma_semaphore, #tpu.memory_space<semaphore_mem>>)
        %add3A_66 = arith.constant 1 : i32
        %add3A_67 = arith.addi %mul3A_55, %add3A_66 : i32
        %dma_start3A_68 = arith.constant 1 : i32
        %dma_start3A_69 = arith.constant 0 : i32
        %dma_start3A_70 = arith.constant 0 : i32
        %dma_start3A_71 = tpu.memref_slice %arg9[%dma_start3A_68, %dma_start3A_69, %dma_start3A_70] : memref<2x128x128xf32, #tpu.memory_space<vmem>> -> memref<1x128x128xf32, #tpu.memory_space<vmem>>
        %dma_start3A_72 = tpu.memref_squeeze %dma_start3A_71 : memref<1x128x128xf32, #tpu.memory_space<vmem>> -> memref<128x128xf32, #tpu.memory_space<vmem>>
        %dma_start3A_73 = arith.constant 0 : i32
        %dma_start3A_74 = tpu.memref_slice %arg7[%add3A_67, %dma_start3A_73] : memref<48x128xi32, #tpu.memory_space<vmem>> -> memref<1x128xi32, #tpu.memory_space<vmem>>
        %dma_start3A_75 = tpu.memref_squeeze %dma_start3A_74 : memref<1x128xi32, #tpu.memory_space<vmem>> -> memref<128xi32, #tpu.memory_space<vmem>>
        %dma_start3A_76 = arith.constant 0 : i32
        %dma_start3A_77 = arith.constant 0 : i32
        %dma_start3A_78 = tpu.memref_slice %arg4[%dma_start3A_76, %dma_start3A_77] : memref<10000x128xf32, #tpu.memory_space<hbm>> -> memref<10000x128xf32, #tpu.memory_space<hbm>>
        tpu.enqueue_indirect_dma source(%dma_start3A_78 : memref<10000x128xf32, #tpu.memory_space<hbm>>) target(%dma_start3A_72 : memref<128x128xf32, #tpu.memory_space<vmem>>) offsets(%dma_start3A_75 : memref<128xi32, #tpu.memory_space<vmem>>) semaphore(%arg11 : memref<!tpu.dma_semaphore, #tpu.memory_space<semaphore_mem>>)
        %dma_wait3A = arith.constant 0 : i32
        %dma_wait3A_79 = arith.constant 0 : i32
        %dma_wait3A_80 = arith.constant 0 : i32
        %dma_wait3A_81 = tpu.memref_slice %arg9[%dma_wait3A, %dma_wait3A_79, %dma_wait3A_80] : memref<2x128x128xf32, #tpu.memory_space<vmem>> -> memref<1x128x128xf32, #tpu.memory_space<vmem>>
        %dma_wait3A_82 = tpu.memref_squeeze %dma_wait3A_81 : memref<1x128x128xf32, #tpu.memory_space<vmem>> -> memref<128x128xf32, #tpu.memory_space<vmem>>
        %dma_wait3A_83 = arith.constant 0 : i32
        %dma_wait3A_84 = tpu.memref_slice %arg7[%mul3A_55, %dma_wait3A_83] : memref<48x128xi32, #tpu.memory_space<vmem>> -> memref<1x128xi32, #tpu.memory_space<vmem>>
        %dma_wait3A_85 = tpu.memref_squeeze %dma_wait3A_84 : memref<1x128xi32, #tpu.memory_space<vmem>> -> memref<128xi32, #tpu.memory_space<vmem>>
        %dma_wait3A_86 = arith.constant 0 : i32
        %dma_wait3A_87 = arith.constant 0 : i32
        %dma_wait3A_88 = tpu.memref_slice %arg4[%dma_wait3A_86, %dma_wait3A_87] : memref<10000x128xf32, #tpu.memory_space<hbm>> -> memref<10000x128xf32, #tpu.memory_space<hbm>>
        tpu.wait_indirect_dma semaphore(%arg11 : memref<!tpu.dma_semaphore, #tpu.memory_space<semaphore_mem>>) src(%dma_wait3A_88 : memref<10000x128xf32, #tpu.memory_space<hbm>>) dst(%dma_wait3A_82 : memref<128x128xf32, #tpu.memory_space<vmem>>)
        %dma_wait3A_89 = arith.constant 1 : i32
        %dma_wait3A_90 = arith.constant 0 : i32
        %dma_wait3A_91 = arith.constant 0 : i32
        %dma_wait3A_92 = tpu.memref_slice %arg9[%dma_wait3A_89, %dma_wait3A_90, %dma_wait3A_91] : memref<2x128x128xf32, #tpu.memory_space<vmem>> -> memref<1x128x128xf32, #tpu.memory_space<vmem>>
        %dma_wait3A_93 = tpu.memref_squeeze %dma_wait3A_92 : memref<1x128x128xf32, #tpu.memory_space<vmem>> -> memref<128x128xf32, #tpu.memory_space<vmem>>
        %dma_wait3A_94 = arith.constant 0 : i32
        %dma_wait3A_95 = tpu.memref_slice %arg7[%add3A_67, %dma_wait3A_94] : memref<48x128xi32, #tpu.memory_space<vmem>> -> memref<1x128xi32, #tpu.memory_space<vmem>>
        %dma_wait3A_96 = tpu.memref_squeeze %dma_wait3A_95 : memref<1x128xi32, #tpu.memory_space<vmem>> -> memref<128xi32, #tpu.memory_space<vmem>>
        %dma_wait3A_97 = arith.constant 0 : i32
        %dma_wait3A_98 = arith.constant 0 : i32
        %dma_wait3A_99 = tpu.memref_slice %arg4[%dma_wait3A_97, %dma_wait3A_98] : memref<10000x128xf32, #tpu.memory_space<hbm>> -> memref<10000x128xf32, #tpu.memory_space<hbm>>
        tpu.wait_indirect_dma semaphore(%arg11 : memref<!tpu.dma_semaphore, #tpu.memory_space<semaphore_mem>>) src(%dma_wait3A_99 : memref<10000x128xf32, #tpu.memory_space<hbm>>) dst(%dma_wait3A_93 : memref<128x128xf32, #tpu.memory_space<vmem>>)
        %dma_start3A_100 = arith.constant 0 : i32
        %dma_start3A_101 = arith.constant 0 : i32
        %dma_start3A_102 = arith.constant 0 : i32
        %dma_start3A_103 = tpu.memref_slice %arg9[%dma_start3A_100, %dma_start3A_101, %dma_start3A_102] : memref<2x128x128xf32, #tpu.memory_space<vmem>> -> memref<1x128x128xf32, #tpu.memory_space<vmem>>
        %dma_start3A_104 = tpu.memref_squeeze %dma_start3A_103 : memref<1x128x128xf32, #tpu.memory_space<vmem>> -> memref<128x128xf32, #tpu.memory_space<vmem>>
        %dma_start3A_105 = arith.constant 0 : i32
        %dma_start3A_106 = tpu.memref_slice %arg8[%mul3A_55, %dma_start3A_105] : memref<48x128xi32, #tpu.memory_space<vmem>> -> memref<1x128xi32, #tpu.memory_space<vmem>>
        %dma_start3A_107 = tpu.memref_squeeze %dma_start3A_106 : memref<1x128xi32, #tpu.memory_space<vmem>> -> memref<128xi32, #tpu.memory_space<vmem>>
        %dma_start3A_108 = arith.constant 0 : i32
        %dma_start3A_109 = arith.constant 0 : i32
        %dma_start3A_110 = tpu.memref_slice %arg10[%dma_start3A_108, %dma_start3A_109] : memref<10112x128xf32, #tpu.memory_space<vmem_shared>> -> memref<10112x128xf32, #tpu.memory_space<vmem_shared>>
        tpu.enqueue_indirect_dma source(%dma_start3A_104 : memref<128x128xf32, #tpu.memory_space<vmem>>) target(%dma_start3A_110 : memref<10112x128xf32, #tpu.memory_space<vmem_shared>>) offsets(%dma_start3A_107 : memref<128xi32, #tpu.memory_space<vmem>>) semaphore(%arg12 : memref<!tpu.dma_semaphore, #tpu.memory_space<semaphore_mem>>) {add = true}
        %add3A_111 = arith.constant 1 : i32
        %add3A_112 = arith.addi %mul3A_55, %add3A_111 : i32
        %dma_start3A_113 = arith.constant 1 : i32
        %dma_start3A_114 = arith.constant 0 : i32
        %dma_start3A_115 = arith.constant 0 : i32
        %dma_start3A_116 = tpu.memref_slice %arg9[%dma_start3A_113, %dma_start3A_114, %dma_start3A_115] : memref<2x128x128xf32, #tpu.memory_space<vmem>> -> memref<1x128x128xf32, #tpu.memory_space<vmem>>
        %dma_start3A_117 = tpu.memref_squeeze %dma_start3A_116 : memref<1x128x128xf32, #tpu.memory_space<vmem>> -> memref<128x128xf32, #tpu.memory_space<vmem>>
        %dma_start3A_118 = arith.constant 0 : i32
        %dma_start3A_119 = tpu.memref_slice %arg8[%add3A_112, %dma_start3A_118] : memref<48x128xi32, #tpu.memory_space<vmem>> -> memref<1x128xi32, #tpu.memory_space<vmem>>
        %dma_start3A_120 = tpu.memref_squeeze %dma_start3A_119 : memref<1x128xi32, #tpu.memory_space<vmem>> -> memref<128xi32, #tpu.memory_space<vmem>>
        %dma_start3A_121 = arith.constant 0 : i32
        %dma_start3A_122 = arith.constant 0 : i32
        %dma_start3A_123 = tpu.memref_slice %arg10[%dma_start3A_121, %dma_start3A_122] : memref<10112x128xf32, #tpu.memory_space<vmem_shared>> -> memref<10112x128xf32, #tpu.memory_space<vmem_shared>>
        tpu.enqueue_indirect_dma source(%dma_start3A_117 : memref<128x128xf32, #tpu.memory_space<vmem>>) target(%dma_start3A_123 : memref<10112x128xf32, #tpu.memory_space<vmem_shared>>) offsets(%dma_start3A_120 : memref<128xi32, #tpu.memory_space<vmem>>) semaphore(%arg12 : memref<!tpu.dma_semaphore, #tpu.memory_space<semaphore_mem>>) {add = true}
        %dma_wait3A_124 = arith.constant 0 : i32
        %dma_wait3A_125 = arith.constant 0 : i32
        %dma_wait3A_126 = arith.constant 0 : i32
        %dma_wait3A_127 = tpu.memref_slice %arg9[%dma_wait3A_124, %dma_wait3A_125, %dma_wait3A_126] : memref<2x128x128xf32, #tpu.memory_space<vmem>> -> memref<1x128x128xf32, #tpu.memory_space<vmem>>
        %dma_wait3A_128 = tpu.memref_squeeze %dma_wait3A_127 : memref<1x128x128xf32, #tpu.memory_space<vmem>> -> memref<128x128xf32, #tpu.memory_space<vmem>>
        %dma_wait3A_129 = arith.constant 0 : i32
        %dma_wait3A_130 = tpu.memref_slice %arg8[%mul3A_55, %dma_wait3A_129] : memref<48x128xi32, #tpu.memory_space<vmem>> -> memref<1x128xi32, #tpu.memory_space<vmem>>
        %dma_wait3A_131 = tpu.memref_squeeze %dma_wait3A_130 : memref<1x128xi32, #tpu.memory_space<vmem>> -> memref<128xi32, #tpu.memory_space<vmem>>
        %dma_wait3A_132 = arith.constant 0 : i32
        %dma_wait3A_133 = arith.constant 0 : i32
        %dma_wait3A_134 = tpu.memref_slice %arg10[%dma_wait3A_132, %dma_wait3A_133] : memref<10112x128xf32, #tpu.memory_space<vmem_shared>> -> memref<10112x128xf32, #tpu.memory_space<vmem_shared>>
        tpu.wait_indirect_dma semaphore(%arg12 : memref<!tpu.dma_semaphore, #tpu.memory_space<semaphore_mem>>) src(%dma_wait3A_128 : memref<128x128xf32, #tpu.memory_space<vmem>>) dst(%dma_wait3A_134 : memref<10112x128xf32, #tpu.memory_space<vmem_shared>>)
        %dma_wait3A_135 = arith.constant 1 : i32
        %dma_wait3A_136 = arith.constant 0 : i32
        %dma_wait3A_137 = arith.constant 0 : i32
        %dma_wait3A_138 = tpu.memref_slice %arg9[%dma_wait3A_135, %dma_wait3A_136, %dma_wait3A_137] : memref<2x128x128xf32, #tpu.memory_space<vmem>> -> memref<1x128x128xf32, #tpu.memory_space<vmem>>
        %dma_wait3A_139 = tpu.memref_squeeze %dma_wait3A_138 : memref<1x128x128xf32, #tpu.memory_space<vmem>> -> memref<128x128xf32, #tpu.memory_space<vmem>>
        %dma_wait3A_140 = arith.constant 0 : i32
        %dma_wait3A_141 = tpu.memref_slice %arg8[%add3A_112, %dma_wait3A_140] : memref<48x128xi32, #tpu.memory_space<vmem>> -> memref<1x128xi32, #tpu.memory_space<vmem>>
        %dma_wait3A_142 = tpu.memref_squeeze %dma_wait3A_141 : memref<1x128xi32, #tpu.memory_space<vmem>> -> memref<128xi32, #tpu.memory_space<vmem>>
        %dma_wait3A_143 = arith.constant 0 : i32
        %dma_wait3A_144 = arith.constant 0 : i32
        %dma_wait3A_145 = tpu.memref_slice %arg10[%dma_wait3A_143, %dma_wait3A_144] : memref<10112x128xf32, #tpu.memory_space<vmem_shared>> -> memref<10112x128xf32, #tpu.memory_space<vmem_shared>>
        tpu.wait_indirect_dma semaphore(%arg12 : memref<!tpu.dma_semaphore, #tpu.memory_space<semaphore_mem>>) src(%dma_wait3A_139 : memref<128x128xf32, #tpu.memory_space<vmem>>) dst(%dma_wait3A_145 : memref<10112x128xf32, #tpu.memory_space<vmem_shared>>)
      }
      %while3A_52 = arith.constant 1 : i32
      scf.for %while3A_53 = %while3A_50 to %while3A_46 step %while3A_52  : i32 {
        %mul3A_54 = arith.constant 2 : i32
        %mul3A_55 = arith.muli %mul3A_54, %while3A_53 : i32
        %dma_start3A = arith.constant 0 : i32
        %dma_start3A_56 = arith.constant 0 : i32
        %dma_start3A_57 = arith.constant 0 : i32
        %dma_start3A_58 = tpu.memref_slice %arg9[%dma_start3A, %dma_start3A_56, %dma_start3A_57] : memref<2x128x128xf32, #tpu.memory_space<vmem>> -> memref<1x128x128xf32, #tpu.memory_space<vmem>>
        %dma_start3A_59 = tpu.memref_squeeze %dma_start3A_58 : memref<1x128x128xf32, #tpu.memory_space<vmem>> -> memref<128x128xf32, #tpu.memory_space<vmem>>
        %dma_start3A_60 = arith.constant 0 : i32
        %dma_start3A_61 = tpu.memref_slice %arg7[%mul3A_55, %dma_start3A_60] : memref<48x128xi32, #tpu.memory_space<vmem>> -> memref<1x128xi32, #tpu.memory_space<vmem>>
        %dma_start3A_62 = tpu.memref_squeeze %dma_start3A_61 : memref<1x128xi32, #tpu.memory_space<vmem>> -> memref<128xi32, #tpu.memory_space<vmem>>
        %dma_start3A_63 = arith.constant 0 : i32
        %dma_start3A_64 = arith.constant 0 : i32
        %dma_start3A_65 = tpu.memref_slice %arg4[%dma_start3A_63, %dma_start3A_64] : memref<10000x128xf32, #tpu.memory_space<hbm>> -> memref<10000x128xf32, #tpu.memory_space<hbm>>
        tpu.enqueue_indirect_dma source(%dma_start3A_65 : memref<10000x128xf32, #tpu.memory_space<hbm>>) target(%dma_start3A_59 : memref<128x128xf32, #tpu.memory_space<vmem>>) offsets(%dma_start3A_62 : memref<128xi32, #tpu.memory_space<vmem>>) semaphore(%arg11 : memref<!tpu.dma_semaphore, #tpu.memory_space<semaphore_mem>>)
        %add3A_66 = arith.constant 1 : i32
        %add3A_67 = arith.addi %mul3A_55, %add3A_66 : i32
        %dma_start3A_68 = arith.constant 1 : i32
        %dma_start3A_69 = arith.constant 0 : i32
        %dma_start3A_70 = arith.constant 0 : i32
        %dma_start3A_71 = tpu.memref_slice %arg9[%dma_start3A_68, %dma_start3A_69, %dma_start3A_70] : memref<2x128x128xf32, #tpu.memory_space<vmem>> -> memref<1x128x128xf32, #tpu.memory_space<vmem>>
        %dma_start3A_72 = tpu.memref_squeeze %dma_start3A_71 : memref<1x128x128xf32, #tpu.memory_space<vmem>> -> memref<128x128xf32, #tpu.memory_space<vmem>>
        %dma_start3A_73 = arith.constant 0 : i32
        %dma_start3A_74 = tpu.memref_slice %arg7[%add3A_67, %dma_start3A_73] : memref<48x128xi32, #tpu.memory_space<vmem>> -> memref<1x128xi32, #tpu.memory_space<vmem>>
        %dma_start3A_75 = tpu.memref_squeeze %dma_start3A_74 : memref<1x128xi32, #tpu.memory_space<vmem>> -> memref<128xi32, #tpu.memory_space<vmem>>
        %dma_start3A_76 = arith.constant 0 : i32
        %dma_start3A_77 = arith.constant 0 : i32
        %dma_start3A_78 = tpu.memref_slice %arg4[%dma_start3A_76, %dma_start3A_77] : memref<10000x128xf32, #tpu.memory_space<hbm>> -> memref<10000x128xf32, #tpu.memory_space<hbm>>
        tpu.enqueue_indirect_dma source(%dma_start3A_78 : memref<10000x128xf32, #tpu.memory_space<hbm>>) target(%dma_start3A_72 : memref<128x128xf32, #tpu.memory_space<vmem>>) offsets(%dma_start3A_75 : memref<128xi32, #tpu.memory_space<vmem>>) semaphore(%arg11 : memref<!tpu.dma_semaphore, #tpu.memory_space<semaphore_mem>>)
        %dma_wait3A = arith.constant 0 : i32
        %dma_wait3A_79 = arith.constant 0 : i32
        %dma_wait3A_80 = arith.constant 0 : i32
        %dma_wait3A_81 = tpu.memref_slice %arg9[%dma_wait3A, %dma_wait3A_79, %dma_wait3A_80] : memref<2x128x128xf32, #tpu.memory_space<vmem>> -> memref<1x128x128xf32, #tpu.memory_space<vmem>>
        %dma_wait3A_82 = tpu.memref_squeeze %dma_wait3A_81 : memref<1x128x128xf32, #tpu.memory_space<vmem>> -> memref<128x128xf32, #tpu.memory_space<vmem>>
        %dma_wait3A_83 = arith.constant 0 : i32
        %dma_wait3A_84 = tpu.memref_slice %arg7[%mul3A_55, %dma_wait3A_83] : memref<48x128xi32, #tpu.memory_space<vmem>> -> memref<1x128xi32, #tpu.memory_space<vmem>>
        %dma_wait3A_85 = tpu.memref_squeeze %dma_wait3A_84 : memref<1x128xi32, #tpu.memory_space<vmem>> -> memref<128xi32, #tpu.memory_space<vmem>>
        %dma_wait3A_86 = arith.constant 0 : i32
        %dma_wait3A_87 = arith.constant 0 : i32
        %dma_wait3A_88 = tpu.memref_slice %arg4[%dma_wait3A_86, %dma_wait3A_87] : memref<10000x128xf32, #tpu.memory_space<hbm>> -> memref<10000x128xf32, #tpu.memory_space<hbm>>
        tpu.wait_indirect_dma semaphore(%arg11 : memref<!tpu.dma_semaphore, #tpu.memory_space<semaphore_mem>>) src(%dma_wait3A_88 : memref<10000x128xf32, #tpu.memory_space<hbm>>) dst(%dma_wait3A_82 : memref<128x128xf32, #tpu.memory_space<vmem>>)
        %dma_wait3A_89 = arith.constant 1 : i32
        %dma_wait3A_90 = arith.constant 0 : i32
        %dma_wait3A_91 = arith.constant 0 : i32
        %dma_wait3A_92 = tpu.memref_slice %arg9[%dma_wait3A_89, %dma_wait3A_90, %dma_wait3A_91] : memref<2x128x128xf32, #tpu.memory_space<vmem>> -> memref<1x128x128xf32, #tpu.memory_space<vmem>>
        %dma_wait3A_93 = tpu.memref_squeeze %dma_wait3A_92 : memref<1x128x128xf32, #tpu.memory_space<vmem>> -> memref<128x128xf32, #tpu.memory_space<vmem>>
        %dma_wait3A_94 = arith.constant 0 : i32
        %dma_wait3A_95 = tpu.memref_slice %arg7[%add3A_67, %dma_wait3A_94] : memref<48x128xi32, #tpu.memory_space<vmem>> -> memref<1x128xi32, #tpu.memory_space<vmem>>
        %dma_wait3A_96 = tpu.memref_squeeze %dma_wait3A_95 : memref<1x128xi32, #tpu.memory_space<vmem>> -> memref<128xi32, #tpu.memory_space<vmem>>
        %dma_wait3A_97 = arith.constant 0 : i32
        %dma_wait3A_98 = arith.constant 0 : i32
        %dma_wait3A_99 = tpu.memref_slice %arg4[%dma_wait3A_97, %dma_wait3A_98] : memref<10000x128xf32, #tpu.memory_space<hbm>> -> memref<10000x128xf32, #tpu.memory_space<hbm>>
        tpu.wait_indirect_dma semaphore(%arg11 : memref<!tpu.dma_semaphore, #tpu.memory_space<semaphore_mem>>) src(%dma_wait3A_99 : memref<10000x128xf32, #tpu.memory_space<hbm>>) dst(%dma_wait3A_93 : memref<128x128xf32, #tpu.memory_space<vmem>>)
        %dma_start3A_100 = arith.constant 0 : i32
        %dma_start3A_101 = arith.constant 0 : i32
        %dma_start3A_102 = arith.constant 0 : i32
        %dma_start3A_103 = tpu.memref_slice %arg9[%dma_start3A_100, %dma_start3A_101, %dma_start3A_102] : memref<2x128x128xf32, #tpu.memory_space<vmem>> -> memref<1x128x128xf32, #tpu.memory_space<vmem>>
        %dma_start3A_104 = tpu.memref_squeeze %dma_start3A_103 : memref<1x128x128xf32, #tpu.memory_space<vmem>> -> memref<128x128xf32, #tpu.memory_space<vmem>>
        %dma_start3A_105 = arith.constant 0 : i32
        %dma_start3A_106 = tpu.memref_slice %arg8[%mul3A_55, %dma_start3A_105] : memref<48x128xi32, #tpu.memory_space<vmem>> -> memref<1x128xi32, #tpu.memory_space<vmem>>
        %dma_start3A_107 = tpu.memref_squeeze %dma_start3A_106 : memref<1x128xi32, #tpu.memory_space<vmem>> -> memref<128xi32, #tpu.memory_space<vmem>>
        %dma_start3A_108 = arith.constant 0 : i32
        %dma_start3A_109 = arith.constant 0 : i32
        %dma_start3A_110 = tpu.memref_slice %arg10[%dma_start3A_108, %dma_start3A_109] : memref<10112x128xf32, #tpu.memory_space<vmem_shared>> -> memref<10112x128xf32, #tpu.memory_space<vmem_shared>>
        tpu.enqueue_indirect_dma source(%dma_start3A_104 : memref<128x128xf32, #tpu.memory_space<vmem>>) target(%dma_start3A_110 : memref<10112x128xf32, #tpu.memory_space<vmem_shared>>) offsets(%dma_start3A_107 : memref<128xi32, #tpu.memory_space<vmem>>) semaphore(%arg12 : memref<!tpu.dma_semaphore, #tpu.memory_space<semaphore_mem>>) {add = true}
        %add3A_111 = arith.constant 1 : i32
        %add3A_112 = arith.addi %mul3A_55, %add3A_111 : i32
        %dma_start3A_113 = arith.constant 1 : i32
        %dma_start3A_114 = arith.constant 0 : i32
        %dma_start3A_115 = arith.constant 0 : i32
        %dma_start3A_116 = tpu.memref_slice %arg9[%dma_start3A_113, %dma_start3A_114, %dma_start3A_115] : memref<2x128x128xf32, #tpu.memory_space<vmem>> -> memref<1x128x128xf32, #tpu.memory_space<vmem>>
        %dma_start3A_117 = tpu.memref_squeeze %dma_start3A_116 : memref<1x128x128xf32, #tpu.memory_space<vmem>> -> memref<128x128xf32, #tpu.memory_space<vmem>>
        %dma_start3A_118 = arith.constant 0 : i32
        %dma_start3A_119 = tpu.memref_slice %arg8[%add3A_112, %dma_start3A_118] : memref<48x128xi32, #tpu.memory_space<vmem>> -> memref<1x128xi32, #tpu.memory_space<vmem>>
        %dma_start3A_120 = tpu.memref_squeeze %dma_start3A_119 : memref<1x128xi32, #tpu.memory_space<vmem>> -> memref<128xi32, #tpu.memory_space<vmem>>
        %dma_start3A_121 = arith.constant 0 : i32
        %dma_start3A_122 = arith.constant 0 : i32
        %dma_start3A_123 = tpu.memref_slice %arg10[%dma_start3A_121, %dma_start3A_122] : memref<10112x128xf32, #tpu.memory_space<vmem_shared>> -> memref<10112x128xf32, #tpu.memory_space<vmem_shared>>
        tpu.enqueue_indirect_dma source(%dma_start3A_117 : memref<128x128xf32, #tpu.memory_space<vmem>>) target(%dma_start3A_123 : memref<10112x128xf32, #tpu.memory_space<vmem_shared>>) offsets(%dma_start3A_120 : memref<128xi32, #tpu.memory_space<vmem>>) semaphore(%arg12 : memref<!tpu.dma_semaphore, #tpu.memory_space<semaphore_mem>>) {add = true}
        %dma_wait3A_124 = arith.constant 0 : i32
        %dma_wait3A_125 = arith.constant 0 : i32
        %dma_wait3A_126 = arith.constant 0 : i32
        %dma_wait3A_127 = tpu.memref_slice %arg9[%dma_wait3A_124, %dma_wait3A_125, %dma_wait3A_126] : memref<2x128x128xf32, #tpu.memory_space<vmem>> -> memref<1x128x128xf32, #tpu.memory_space<vmem>>
        %dma_wait3A_128 = tpu.memref_squeeze %dma_wait3A_127 : memref<1x128x128xf32, #tpu.memory_space<vmem>> -> memref<128x128xf32, #tpu.memory_space<vmem>>
        %dma_wait3A_129 = arith.constant 0 : i32
        %dma_wait3A_130 = tpu.memref_slice %arg8[%mul3A_55, %dma_wait3A_129] : memref<48x128xi32, #tpu.memory_space<vmem>> -> memref<1x128xi32, #tpu.memory_space<vmem>>
        %dma_wait3A_131 = tpu.memref_squeeze %dma_wait3A_130 : memref<1x128xi32, #tpu.memory_space<vmem>> -> memref<128xi32, #tpu.memory_space<vmem>>
        %dma_wait3A_132 = arith.constant 0 : i32
        %dma_wait3A_133 = arith.constant 0 : i32
        %dma_wait3A_134 = tpu.memref_slice %arg10[%dma_wait3A_132, %dma_wait3A_133] : memref<10112x128xf32, #tpu.memory_space<vmem_shared>> -> memref<10112x128xf32, #tpu.memory_space<vmem_shared>>
        tpu.wait_indirect_dma semaphore(%arg12 : memref<!tpu.dma_semaphore, #tpu.memory_space<semaphore_mem>>) src(%dma_wait3A_128 : memref<128x128xf32, #tpu.memory_space<vmem>>) dst(%dma_wait3A_134 : memref<10112x128xf32, #tpu.memory_space<vmem_shared>>)
        %dma_wait3A_135 = arith.constant 1 : i32
        %dma_wait3A_136 = arith.constant 0 : i32
        %dma_wait3A_137 = arith.constant 0 : i32
        %dma_wait3A_138 = tpu.memref_slice %arg9[%dma_wait3A_135, %dma_wait3A_136, %dma_wait3A_137] : memref<2x128x128xf32, #tpu.memory_space<vmem>> -> memref<1x128x128xf32, #tpu.memory_space<vmem>>
        %dma_wait3A_139 = tpu.memref_squeeze %dma_wait3A_138 : memref<1x128x128xf32, #tpu.memory_space<vmem>> -> memref<128x128xf32, #tpu.memory_space<vmem>>
        %dma_wait3A_140 = arith.constant 0 : i32
        %dma_wait3A_141 = tpu.memref_slice %arg8[%add3A_112, %dma_wait3A_140] : memref<48x128xi32, #tpu.memory_space<vmem>> -> memref<1x128xi32, #tpu.memory_space<vmem>>
        %dma_wait3A_142 = tpu.memref_squeeze %dma_wait3A_141 : memref<1x128xi32, #tpu.memory_space<vmem>> -> memref<128xi32, #tpu.memory_space<vmem>>
        %dma_wait3A_143 = arith.constant 0 : i32
        %dma_wait3A_144 = arith.constant 0 : i32
        %dma_wait3A_145 = tpu.memref_slice %arg10[%dma_wait3A_143, %dma_wait3A_144] : memref<10112x128xf32, #tpu.memory_space<vmem_shared>> -> memref<10112x128xf32, #tpu.memory_space<vmem_shared>>
        tpu.wait_indirect_dma semaphore(%arg12 : memref<!tpu.dma_semaphore, #tpu.memory_space<semaphore_mem>>) src(%dma_wait3A_139 : memref<128x128xf32, #tpu.memory_space<vmem>>) dst(%dma_wait3A_145 : memref<10112x128xf32, #tpu.memory_space<vmem_shared>>)
      }
    } else {
    }
    %barrier3A_19 = arith.constant 0 : index
    tpu.barrier barrier_id(%barrier3A_19)
    %mul3A_20 = arith.constant 632 : i32
    %mul3A_21 = arith.muli %arg1, %mul3A_20 : i32
    %mul3A_22 = arith.constant 632 : i32
    %mul3A_23 = arith.muli %arg1, %mul3A_22 : i32
    "tpu.region"() ({
      %run_scoped3A = tpu.sem_alloc : memref<!tpu.dma_semaphore, #tpu.memory_space<semaphore_mem>>
      %dma_start3A = arith.constant 0 : i32
      %dma_start3A_24 = tpu.memref_slice %arg6[%arg0, %mul3A_23, %dma_start3A] : memref<2x10112x128xf32, #tpu.memory_space<hbm>> -> memref<1x632x128xf32, #tpu.memory_space<hbm>>
      %dma_start3A_25 = tpu.memref_squeeze %dma_start3A_24 : memref<1x632x128xf32, #tpu.memory_space<hbm>> -> memref<632x128xf32, #tpu.memory_space<hbm>>
      %dma_start3A_26 = arith.constant 0 : i32
      %dma_start3A_27 = tpu.memref_slice %arg10[%mul3A_21, %dma_start3A_26] : memref<10112x128xf32, #tpu.memory_space<vmem_shared>> -> memref<632x128xf32, #tpu.memory_space<vmem_shared>>
      tpu.enqueue_dma source(%dma_start3A_27 : memref<632x128xf32, #tpu.memory_space<vmem_shared>>) target(%dma_start3A_25 : memref<632x128xf32, #tpu.memory_space<hbm>>) target_semaphore(%run_scoped3A : memref<!tpu.dma_semaphore, #tpu.memory_space<semaphore_mem>>)
      %dma_wait3A = arith.constant 0 : i32
      %dma_wait3A_28 = tpu.memref_slice %arg6[%arg0, %mul3A_23, %dma_wait3A] : memref<2x10112x128xf32, #tpu.memory_space<hbm>> -> memref<1x632x128xf32, #tpu.memory_space<hbm>>
      %dma_wait3A_29 = tpu.memref_squeeze %dma_wait3A_28 : memref<1x632x128xf32, #tpu.memory_space<hbm>> -> memref<632x128xf32, #tpu.memory_space<hbm>>
      %dma_wait3A_30 = arith.constant 0 : i32
      %dma_wait3A_31 = tpu.memref_slice %arg10[%mul3A_21, %dma_wait3A_30] : memref<10112x128xf32, #tpu.memory_space<vmem_shared>> -> memref<632x128xf32, #tpu.memory_space<vmem_shared>>
      tpu.wait_dma2 semaphore(%run_scoped3A : memref<!tpu.dma_semaphore, #tpu.memory_space<semaphore_mem>>) src(%dma_wait3A_31 : memref<632x128xf32, #tpu.memory_space<vmem_shared>>) dst(%dma_wait3A_29 : memref<632x128xf32, #tpu.memory_space<hbm>>)
      tpu.yield
    }) : () -> ()
    return
  }
}

#map = affine_map<(d0, d1) -> (0, 0)>
#map1 = affine_map<(d0, d1) -> (0, 0, 0)>
module attributes {stable_mosaic.version = 14 : i64} {
  func.func @_deg_kernel(%arg0: i32, %arg1: i32, %arg2: memref<2624x128xi32, #tpu.memory_space<hbm>>, %arg3: memref<10112x16xf32, #tpu.memory_space<hbm>>, %arg4: memref<2x10112x16xf32, #tpu.memory_space<hbm>>, %arg5: memref<80x128xi32, #tpu.memory_space<vmem>>, %arg6: memref<128x16xf32, #tpu.memory_space<vmem>>, %arg7: memref<10112x16xf32, #tpu.memory_space<vmem_shared>>) attributes {dimension_semantics = [#tpu.dimension_semantics<core_parallel>, #tpu.dimension_semantics<subcore_parallel>], iteration_bounds = array<i64: 2, 16>, scalar_prefetch = 0 : i64, scratch_operands = 3 : i64, tpu.core_type = #tpu.core_type<sc_vector_subcore>, window_params = [{transform_indices = #map}, {transform_indices = #map}, {transform_indices = #map1}]} {
    %mul3A = arith.constant 16 : i32
    %mul3A_0 = arith.muli %arg0, %mul3A : i32
    %add3A = arith.addi %mul3A_0, %arg1 : i32
    %mul3A_1 = arith.constant 632 : i32
    %mul3A_2 = arith.muli %arg1, %mul3A_1 : i32
    %mul3A_3 = arith.constant 632 : i32
    %mul3A_4 = arith.muli %arg1, %mul3A_3 : i32
    "tpu.region"() ({
      %run_scoped3A = tpu.sem_alloc : memref<!tpu.dma_semaphore, #tpu.memory_space<semaphore_mem>>
      %dma_start3A = arith.constant 0 : i32
      %dma_start3A_23 = tpu.memref_slice %arg7[%mul3A_4, %dma_start3A] : memref<10112x16xf32, #tpu.memory_space<vmem_shared>> -> memref<632x16xf32, #tpu.memory_space<vmem_shared>>
      %dma_start3A_24 = arith.constant 0 : i32
      %dma_start3A_25 = tpu.memref_slice %arg3[%mul3A_2, %dma_start3A_24] : memref<10112x16xf32, #tpu.memory_space<hbm>> -> memref<632x16xf32, #tpu.memory_space<hbm>>
      tpu.enqueue_dma source(%dma_start3A_25 : memref<632x16xf32, #tpu.memory_space<hbm>>) target(%dma_start3A_23 : memref<632x16xf32, #tpu.memory_space<vmem_shared>>) target_semaphore(%run_scoped3A : memref<!tpu.dma_semaphore, #tpu.memory_space<semaphore_mem>>)
      %dma_wait3A = arith.constant 0 : i32
      %dma_wait3A_26 = tpu.memref_slice %arg7[%mul3A_4, %dma_wait3A] : memref<10112x16xf32, #tpu.memory_space<vmem_shared>> -> memref<632x16xf32, #tpu.memory_space<vmem_shared>>
      %dma_wait3A_27 = arith.constant 0 : i32
      %dma_wait3A_28 = tpu.memref_slice %arg3[%mul3A_2, %dma_wait3A_27] : memref<10112x16xf32, #tpu.memory_space<hbm>> -> memref<632x16xf32, #tpu.memory_space<hbm>>
      tpu.wait_dma2 semaphore(%run_scoped3A : memref<!tpu.dma_semaphore, #tpu.memory_space<semaphore_mem>>) src(%dma_wait3A_28 : memref<632x16xf32, #tpu.memory_space<hbm>>) dst(%dma_wait3A_26 : memref<632x16xf32, #tpu.memory_space<vmem_shared>>)
      tpu.yield
    }) : () -> ()
    %mul3A_5 = arith.constant 80 : i32
    %mul3A_6 = arith.muli %add3A, %mul3A_5 : i32
    "tpu.region"() ({
      %run_scoped3A = tpu.sem_alloc : memref<!tpu.dma_semaphore, #tpu.memory_space<semaphore_mem>>
      %dma_start3A = arith.constant 0 : i32
      %dma_start3A_23 = tpu.memref_slice %arg2[%mul3A_6, %dma_start3A] : memref<2624x128xi32, #tpu.memory_space<hbm>> -> memref<80x128xi32, #tpu.memory_space<hbm>>
      %dma_start3A_24 = arith.constant 0 : i32
      %dma_start3A_25 = tpu.memref_slice %arg2[%mul3A_6, %dma_start3A_24] : memref<2624x128xi32, #tpu.memory_space<hbm>> -> memref<80x128xi32, #tpu.memory_space<hbm>>
      tpu.enqueue_dma source(%dma_start3A_25 : memref<80x128xi32, #tpu.memory_space<hbm>>) target(%arg5 : memref<80x128xi32, #tpu.memory_space<vmem>>) target_semaphore(%run_scoped3A : memref<!tpu.dma_semaphore, #tpu.memory_space<semaphore_mem>>)
      %dma_wait3A = arith.constant 0 : i32
      %dma_wait3A_26 = tpu.memref_slice %arg2[%mul3A_6, %dma_wait3A] : memref<2624x128xi32, #tpu.memory_space<hbm>> -> memref<80x128xi32, #tpu.memory_space<hbm>>
      %dma_wait3A_27 = arith.constant 0 : i32
      %dma_wait3A_28 = tpu.memref_slice %arg2[%mul3A_6, %dma_wait3A_27] : memref<2624x128xi32, #tpu.memory_space<hbm>> -> memref<80x128xi32, #tpu.memory_space<hbm>>
      tpu.wait_dma2 semaphore(%run_scoped3A : memref<!tpu.dma_semaphore, #tpu.memory_space<semaphore_mem>>) src(%dma_wait3A_28 : memref<80x128xi32, #tpu.memory_space<hbm>>) dst(%arg5 : memref<80x128xi32, #tpu.memory_space<vmem>>)
      tpu.yield
    }) : () -> ()
    %scan3A = arith.constant 0 : i32
    %scan3A_7 = arith.constant 0 : i32
    %scan3A_8 = arith.constant 128 : i32
    %scan3A_9 = arith.addi %scan3A_7, %scan3A_8 : i32
    %scan3A_10 = arith.constant 1 : i32
    scf.for %scan3A_23 = %scan3A_7 to %scan3A_9 step %scan3A_10  : i32 {
      %broadcast_in_dim3A = arith.constant 1.000000e+00 : f32
      %broadcast_in_dim3A_24 = vector.broadcast %broadcast_in_dim3A : f32 to vector<16xf32>
      %swap3A = arith.index_cast %scan3A_23 : i32 to index
      %swap3A_25 = arith.constant 0 : index
      %swap3A_26 = tpu.vector_load %arg6[%swap3A, %swap3A_25] {strides = array<i32>} : memref<128x16xf32, #tpu.memory_space<vmem>>, vector<1x16xf32>,
      %swap3A_27 = vector.shape_cast %swap3A_26 : vector<1x16xf32> to vector<16xf32>
      %swap3A_28 = vector.shape_cast %broadcast_in_dim3A_24 : vector<16xf32> to vector<1x16xf32>
      tpu.vector_store %arg6[%swap3A, %swap3A_25], %swap3A_28 {strides = array<i32>} : memref<128x16xf32, #tpu.memory_space<vmem>>, vector<1x16xf32>,
    }
    %scan3A_11 = arith.constant 128 : i32
    %barrier3A = arith.constant 0 : index
    tpu.barrier barrier_id(%barrier3A)
    %scan3A_12 = arith.constant 0 : i32
    %scan3A_13 = arith.constant 0 : i32
    %scan3A_14 = arith.constant 80 : i32
    %scan3A_15 = arith.addi %scan3A_13, %scan3A_14 : i32
    %scan3A_16 = arith.constant 1 : i32
    scf.for %scan3A_23 = %scan3A_13 to %scan3A_15 step %scan3A_16  : i32 {
      "tpu.region"() ({
        %run_scoped3A = tpu.sem_alloc : memref<!tpu.dma_semaphore, #tpu.memory_space<semaphore_mem>>
        %dma_start3A = arith.constant 0 : i32
        %dma_start3A_24 = tpu.memref_slice %arg5[%scan3A_23, %dma_start3A] : memref<80x128xi32, #tpu.memory_space<vmem>> -> memref<1x128xi32, #tpu.memory_space<vmem>>
        %dma_start3A_25 = tpu.memref_squeeze %dma_start3A_24 : memref<1x128xi32, #tpu.memory_space<vmem>> -> memref<128xi32, #tpu.memory_space<vmem>>
        %dma_start3A_26 = arith.constant 0 : i32
        %dma_start3A_27 = arith.constant 0 : i32
        %dma_start3A_28 = tpu.memref_slice %arg7[%dma_start3A_26, %dma_start3A_27] : memref<10112x16xf32, #tpu.memory_space<vmem_shared>> -> memref<10112x16xf32, #tpu.memory_space<vmem_shared>>
        tpu.enqueue_indirect_dma source(%arg6 : memref<128x16xf32, #tpu.memory_space<vmem>>) target(%dma_start3A_28 : memref<10112x16xf32, #tpu.memory_space<vmem_shared>>) offsets(%dma_start3A_25 : memref<128xi32, #tpu.memory_space<vmem>>) semaphore(%run_scoped3A : memref<!tpu.dma_semaphore, #tpu.memory_space<semaphore_mem>>) {add = true}
        %dma_wait3A = arith.constant 0 : i32
        %dma_wait3A_29 = tpu.memref_slice %arg5[%scan3A_23, %dma_wait3A] : memref<80x128xi32, #tpu.memory_space<vmem>> -> memref<1x128xi32, #tpu.memory_space<vmem>>
        %dma_wait3A_30 = tpu.memref_squeeze %dma_wait3A_29 : memref<1x128xi32, #tpu.memory_space<vmem>> -> memref<128xi32, #tpu.memory_space<vmem>>
        %dma_wait3A_31 = arith.constant 0 : i32
        %dma_wait3A_32 = arith.constant 0 : i32
        %dma_wait3A_33 = tpu.memref_slice %arg7[%dma_wait3A_31, %dma_wait3A_32] : memref<10112x16xf32, #tpu.memory_space<vmem_shared>> -> memref<10112x16xf32, #tpu.memory_space<vmem_shared>>
        tpu.wait_indirect_dma semaphore(%run_scoped3A : memref<!tpu.dma_semaphore, #tpu.memory_space<semaphore_mem>>) src(%arg6 : memref<128x16xf32, #tpu.memory_space<vmem>>) dst(%dma_wait3A_33 : memref<10112x16xf32, #tpu.memory_space<vmem_shared>>)
        tpu.yield
      }) : () -> ()
    }
    %scan3A_17 = arith.constant 80 : i32
    %barrier3A_18 = arith.constant 0 : index
    tpu.barrier barrier_id(%barrier3A_18)
    %mul3A_19 = arith.constant 632 : i32
    %mul3A_20 = arith.muli %arg1, %mul3A_19 : i32
    %mul3A_21 = arith.constant 632 : i32
    %mul3A_22 = arith.muli %arg1, %mul3A_21 : i32
    "tpu.region"() ({
      %run_scoped3A = tpu.sem_alloc : memref<!tpu.dma_semaphore, #tpu.memory_space<semaphore_mem>>
      %dma_start3A = arith.constant 0 : i32
      %dma_start3A_23 = tpu.memref_slice %arg4[%arg0, %mul3A_22, %dma_start3A] : memref<2x10112x16xf32, #tpu.memory_space<hbm>> -> memref<1x632x16xf32, #tpu.memory_space<hbm>>
      %dma_start3A_24 = tpu.memref_squeeze %dma_start3A_23 : memref<1x632x16xf32, #tpu.memory_space<hbm>> -> memref<632x16xf32, #tpu.memory_space<hbm>>
      %dma_start3A_25 = arith.constant 0 : i32
      %dma_start3A_26 = tpu.memref_slice %arg7[%mul3A_20, %dma_start3A_25] : memref<10112x16xf32, #tpu.memory_space<vmem_shared>> -> memref<632x16xf32, #tpu.memory_space<vmem_shared>>
      tpu.enqueue_dma source(%dma_start3A_26 : memref<632x16xf32, #tpu.memory_space<vmem_shared>>) target(%dma_start3A_24 : memref<632x16xf32, #tpu.memory_space<hbm>>) target_semaphore(%run_scoped3A : memref<!tpu.dma_semaphore, #tpu.memory_space<semaphore_mem>>)
      %dma_wait3A = arith.constant 0 : i32
      %dma_wait3A_27 = tpu.memref_slice %arg4[%arg0, %mul3A_22, %dma_wait3A] : memref<2x10112x16xf32, #tpu.memory_space<hbm>> -> memref<1x632x16xf32, #tpu.memory_space<hbm>>
      %dma_wait3A_28 = tpu.memref_squeeze %dma_wait3A_27 : memref<1x632x16xf32, #tpu.memory_space<hbm>> -> memref<632x16xf32, #tpu.memory_space<hbm>>
      %dma_wait3A_29 = arith.constant 0 : i32
      %dma_wait3A_30 = tpu.memref_slice %arg7[%mul3A_20, %dma_wait3A_29] : memref<10112x16xf32, #tpu.memory_space<vmem_shared>> -> memref<632x16xf32, #tpu.memory_space<vmem_shared>>
      tpu.wait_dma2 semaphore(%run_scoped3A : memref<!tpu.dma_semaphore, #tpu.memory_space<semaphore_mem>>) src(%dma_wait3A_30 : memref<632x16xf32, #tpu.memory_space<vmem_shared>>) dst(%dma_wait3A_28 : memref<632x16xf32, #tpu.memory_space<hbm>>)
      tpu.yield
    }) : () -> ()
    return
  }
}

module attributes {stable_mosaic.version = 14 : i64} {
  func.func @_z_body(%arg0: i32, %arg1: memref<2000x128xf32, #tpu.memory_space<vmem>>, %arg2: memref<128x128xf32, #tpu.memory_space<vmem>>, %arg3: memref<2000x1xf32, #tpu.memory_space<vmem>>, %arg4: memref<2000x1xf32, #tpu.memory_space<vmem>>, %arg5: memref<2000x128xf32, #tpu.memory_space<vmem>>, %arg6: memref<2000x1xf32, #tpu.memory_space<vmem>>) attributes {dimension_semantics = [#tpu.dimension_semantics<arbitrary>], iteration_bounds = array<i64: 5>, scalar_prefetch = 0 : i64, scratch_operands = 0 : i64, tpu.core_type = #tpu.core_type<tc>, window_params = [{transform_indices = @transform_0, window_bounds = array<i64: 2000, 128>}, {pipeline_mode = #tpu.pipeline_mode<synchronous>, transform_indices = @transform_1, window_bounds = array<i64: 128, 128>}, {transform_indices = @transform_2, window_bounds = array<i64: 2000, 1>}, {transform_indices = @transform_3, window_bounds = array<i64: 2000, 1>}, {transform_indices = @transform_4, window_bounds = array<i64: 2000, 128>}, {transform_indices = @transform_5, window_bounds = array<i64: 2000, 1>}]} {
    %get3A = arith.constant 0 : index
    %get3A_0 = arith.constant 0 : index
    %get3A_1 = vector.load %arg3[%get3A, %get3A_0] : memref<2000x1xf32, #tpu.memory_space<vmem>>, vector<2000x1xf32>
    %get3A_2 = arith.constant 0 : index
    %get3A_3 = arith.constant 0 : index
    %get3A_4 = vector.load %arg4[%get3A_2, %get3A_3] : memref<2000x1xf32, #tpu.memory_space<vmem>>, vector<2000x1xf32>
    %add3A = arith.addf %get3A_1, %get3A_4 : vector<2000x1xf32>
    %add3A_5 = arith.constant 1.000000e+00 : f32
    %add3A_6 = vector.broadcast %add3A_5 : f32 to vector<2000x1xf32>
    %add3A_7 = arith.addf %add3A, %add3A_6 : vector<2000x1xf32>
    %rsqrt3A = math.rsqrt %add3A_7 : vector<2000x1xf32>
    %get3A_8 = arith.constant 0 : index
    %get3A_9 = arith.constant 0 : index
    %get3A_10 = vector.load %arg1[%get3A_8, %get3A_9] : memref<2000x128xf32, #tpu.memory_space<vmem>>, vector<2000x128xf32>
    %get3A_11 = arith.constant 0 : index
    %get3A_12 = arith.constant 0 : index
    %get3A_13 = vector.load %arg2[%get3A_11, %get3A_12] : memref<128x128xf32, #tpu.memory_space<vmem>>, vector<128x128xf32>
    %dot_general3A = arith.constant dense<0.000000e+00> : vector<2000x128xf32>
    %dot_general3A_14 = tpu.matmul %get3A_10, %get3A_13, %dot_general3A {dimension_numbers = #tpu.dot_dimension_numbers<[1], [0], [0], [1], [0, 0, 1, 1], [], []>, transpose_lhs_hint = false} : vector<2000x128xf32>, vector<128x128xf32>, vector<2000x128xf32> -> vector<2000x128xf32>
    %mul3A = vector.broadcast %rsqrt3A : vector<2000x1xf32> to vector<2000x128xf32>
    %mul3A_15 = arith.mulf %dot_general3A_14, %mul3A : vector<2000x128xf32>
    %swap3A = arith.constant 0 : index
    %swap3A_16 = arith.constant 0 : index
    %swap3A_17 = vector.load %arg5[%swap3A, %swap3A_16] : memref<2000x128xf32, #tpu.memory_space<vmem>>, vector<2000x128xf32>
    tpu.vector_store %arg5[%swap3A, %swap3A_16], %mul3A_15 {strides = array<i32>} : memref<2000x128xf32, #tpu.memory_space<vmem>>, vector<2000x128xf32>,
    %swap3A_18 = arith.constant 0 : index
    %swap3A_19 = arith.constant 0 : index
    %swap3A_20 = vector.load %arg6[%swap3A_18, %swap3A_19] : memref<2000x1xf32, #tpu.memory_space<vmem>>, vector<2000x1xf32>
    tpu.vector_store %arg6[%swap3A_18, %swap3A_19], %rsqrt3A {strides = array<i32>} : memref<2000x1xf32, #tpu.memory_space<vmem>>, vector<2000x1xf32>,
    return
  }
  func.func @transform_0(%arg0: i32) -> (i32, i32) {
    %c0_i32 = arith.constant 0 : i32
    %c0_i32_0 = arith.constant 0 : i32
    return %arg0, %c0_i32 : i32, i32
  }
  func.func @transform_1(%arg0: i32) -> (i32, i32) {
    %c0_i32 = arith.constant 0 : i32
    %c0_i32_0 = arith.constant 0 : i32
    %c0_i32_1 = arith.constant 0 : i32
    return %c0_i32, %c0_i32_0 : i32, i32
  }
  func.func @transform_2(%arg0: i32) -> (i32, i32) {
    %c0_i32 = arith.constant 0 : i32
    %c0_i32_0 = arith.constant 0 : i32
    return %arg0, %c0_i32 : i32, i32
  }
  func.func @transform_3(%arg0: i32) -> (i32, i32) {
    %c0_i32 = arith.constant 0 : i32
    %c0_i32_0 = arith.constant 0 : i32
    return %arg0, %c0_i32 : i32, i32
  }
  func.func @transform_4(%arg0: i32) -> (i32, i32) {
    %c0_i32 = arith.constant 0 : i32
    %c0_i32_0 = arith.constant 0 : i32
    return %arg0, %c0_i32 : i32, i32
  }
  func.func @transform_5(%arg0: i32) -> (i32, i32) {
    %c0_i32 = arith.constant 0 : i32
    %c0_i32_0 = arith.constant 0 : i32
    return %arg0, %c0_i32 : i32, i32
  }
}

module attributes {stable_mosaic.version = 14 : i64} {
  func.func @_emlp_body(%arg0: i32, %arg1: memref<2000x128xf32, #tpu.memory_space<vmem>>, %arg2: memref<128x128xf32, #tpu.memory_space<vmem>>, %arg3: memref<1x128xf32, #tpu.memory_space<vmem>>, %arg4: memref<2000x128xf32, #tpu.memory_space<vmem>>) attributes {dimension_semantics = [#tpu.dimension_semantics<arbitrary>], iteration_bounds = array<i64: 160>, scalar_prefetch = 0 : i64, scratch_operands = 0 : i64, tpu.core_type = #tpu.core_type<tc>, window_params = [{transform_indices = @transform_0, window_bounds = array<i64: 2000, 128>}, {pipeline_mode = #tpu.pipeline_mode<synchronous>, transform_indices = @transform_1, window_bounds = array<i64: 128, 128>}, {pipeline_mode = #tpu.pipeline_mode<synchronous>, transform_indices = @transform_2, window_bounds = array<i64: 1, 128>}, {transform_indices = @transform_3, window_bounds = array<i64: 2000, 128>}]} {
    %get3A = arith.constant 0 : index
    %get3A_0 = arith.constant 0 : index
    %get3A_1 = vector.load %arg1[%get3A, %get3A_0] : memref<2000x128xf32, #tpu.memory_space<vmem>>, vector<2000x128xf32>
    %get3A_2 = arith.constant 0 : index
    %get3A_3 = arith.constant 0 : index
    %get3A_4 = vector.load %arg2[%get3A_2, %get3A_3] : memref<128x128xf32, #tpu.memory_space<vmem>>, vector<128x128xf32>
    %dot_general3A = arith.constant dense<0.000000e+00> : vector<2000x128xf32>
    %dot_general3A_5 = tpu.matmul %get3A_1, %get3A_4, %dot_general3A {dimension_numbers = #tpu.dot_dimension_numbers<[1], [0], [0], [1], [0, 0, 1, 1], [], []>, transpose_lhs_hint = false} : vector<2000x128xf32>, vector<128x128xf32>, vector<2000x128xf32> -> vector<2000x128xf32>
    %get3A_6 = arith.constant 0 : index
    %get3A_7 = arith.constant 0 : index
    %get3A_8 = vector.load %arg3[%get3A_6, %get3A_7] : memref<1x128xf32, #tpu.memory_space<vmem>>, vector<1x128xf32>
    %add3A = vector.broadcast %get3A_8 : vector<1x128xf32> to vector<2000x128xf32>
    %add3A_9 = arith.addf %dot_general3A_5, %add3A : vector<2000x128xf32>
    %swap3A = arith.constant 0 : index
    %swap3A_10 = arith.constant 0 : index
    %swap3A_11 = vector.load %arg4[%swap3A, %swap3A_10] : memref<2000x128xf32, #tpu.memory_space<vmem>>, vector<2000x128xf32>
    tpu.vector_store %arg4[%swap3A, %swap3A_10], %add3A_9 {strides = array<i32>} : memref<2000x128xf32, #tpu.memory_space<vmem>>, vector<2000x128xf32>,
    return
  }
  func.func @transform_0(%arg0: i32) -> (i32, i32) {
    %c0_i32 = arith.constant 0 : i32
    %c0_i32_0 = arith.constant 0 : i32
    return %arg0, %c0_i32 : i32, i32
  }
  func.func @transform_1(%arg0: i32) -> (i32, i32) {
    %c0_i32 = arith.constant 0 : i32
    %c0_i32_0 = arith.constant 0 : i32
    %c0_i32_1 = arith.constant 0 : i32
    return %c0_i32, %c0_i32_0 : i32, i32
  }
  func.func @transform_2(%arg0: i32) -> (i32, i32) {
    %c0_i32 = arith.constant 0 : i32
    %c0_i32_0 = arith.constant 0 : i32
    %c0_i32_1 = arith.constant 0 : i32
    return %c0_i32, %c0_i32_0 : i32, i32
  }
  func.func @transform_3(%arg0: i32) -> (i32, i32) {
    %c0_i32 = arith.constant 0 : i32
    %c0_i32_0 = arith.constant 0 : i32
    return %arg0, %c0_i32 : i32, i32
  }
}

module attributes {stable_mosaic.version = 14 : i64} {
  func.func @_final_body(%arg0: i32, %arg1: memref<2000x128xf32, #tpu.memory_space<vmem>>, %arg2: memref<2000x128xf32, #tpu.memory_space<vmem>>, %arg3: memref<2000x128xf32, #tpu.memory_space<vmem>>, %arg4: memref<2000x1xf32, #tpu.memory_space<vmem>>, %arg5: memref<1x128xf32, #tpu.memory_space<vmem>>, %arg6: memref<2000x128xf32, #tpu.memory_space<vmem>>) attributes {dimension_semantics = [#tpu.dimension_semantics<arbitrary>], iteration_bounds = array<i64: 5>, scalar_prefetch = 0 : i64, scratch_operands = 0 : i64, tpu.core_type = #tpu.core_type<tc>, window_params = [{transform_indices = @transform_0, window_bounds = array<i64: 2000, 128>}, {transform_indices = @transform_1, window_bounds = array<i64: 2000, 128>}, {transform_indices = @transform_2, window_bounds = array<i64: 2000, 128>}, {transform_indices = @transform_3, window_bounds = array<i64: 2000, 1>}, {pipeline_mode = #tpu.pipeline_mode<synchronous>, transform_indices = @transform_4, window_bounds = array<i64: 1, 128>}, {transform_indices = @transform_5, window_bounds = array<i64: 2000, 128>}]} {
    %get3A = arith.constant 0 : index
    %get3A_0 = arith.constant 0 : index
    %get3A_1 = vector.load %arg1[%get3A, %get3A_0] : memref<2000x128xf32, #tpu.memory_space<vmem>>, vector<2000x128xf32>
    %get3A_2 = arith.constant 0 : index
    %get3A_3 = arith.constant 0 : index
    %get3A_4 = vector.load %arg2[%get3A_2, %get3A_3] : memref<2000x128xf32, #tpu.memory_space<vmem>>, vector<2000x128xf32>
    %add3A = arith.addf %get3A_1, %get3A_4 : vector<2000x128xf32>
    %get3A_5 = arith.constant 0 : index
    %get3A_6 = arith.constant 0 : index
    %get3A_7 = vector.load %arg3[%get3A_5, %get3A_6] : memref<2000x128xf32, #tpu.memory_space<vmem>>, vector<2000x128xf32>
    %add3A_8 = arith.addf %add3A, %get3A_7 : vector<2000x128xf32>
    %get3A_9 = arith.constant 0 : index
    %get3A_10 = arith.constant 0 : index
    %get3A_11 = vector.load %arg4[%get3A_9, %get3A_10] : memref<2000x1xf32, #tpu.memory_space<vmem>>, vector<2000x1xf32>
    %mul3A = vector.broadcast %get3A_11 : vector<2000x1xf32> to vector<2000x128xf32>
    %mul3A_12 = arith.mulf %add3A_8, %mul3A : vector<2000x128xf32>
    %get3A_13 = arith.constant 0 : index
    %get3A_14 = arith.constant 0 : index
    %get3A_15 = vector.load %arg5[%get3A_13, %get3A_14] : memref<1x128xf32, #tpu.memory_space<vmem>>, vector<1x128xf32>
    %add3A_16 = vector.broadcast %get3A_15 : vector<1x128xf32> to vector<2000x128xf32>
    %add3A_17 = arith.addf %mul3A_12, %add3A_16 : vector<2000x128xf32>
    %swap3A = arith.constant 0 : index
    %swap3A_18 = arith.constant 0 : index
    %swap3A_19 = vector.load %arg6[%swap3A, %swap3A_18] : memref<2000x128xf32, #tpu.memory_space<vmem>>, vector<2000x128xf32>
    tpu.vector_store %arg6[%swap3A, %swap3A_18], %add3A_17 {strides = array<i32>} : memref<2000x128xf32, #tpu.memory_space<vmem>>, vector<2000x128xf32>,
    return
  }
  func.func @transform_0(%arg0: i32) -> (i32, i32) {
    %c0_i32 = arith.constant 0 : i32
    %c0_i32_0 = arith.constant 0 : i32
    return %arg0, %c0_i32 : i32, i32
  }
  func.func @transform_1(%arg0: i32) -> (i32, i32) {
    %c0_i32 = arith.constant 0 : i32
    %c0_i32_0 = arith.constant 0 : i32
    return %arg0, %c0_i32 : i32, i32
  }
  func.func @transform_2(%arg0: i32) -> (i32, i32) {
    %c0_i32 = arith.constant 0 : i32
    %c0_i32_0 = arith.constant 0 : i32
    return %arg0, %c0_i32 : i32, i32
  }
  func.func @transform_3(%arg0: i32) -> (i32, i32) {
    %c0_i32 = arith.constant 0 : i32
    %c0_i32_0 = arith.constant 0 : i32
    return %arg0, %c0_i32 : i32, i32
  }
  func.func @transform_4(%arg0: i32) -> (i32, i32) {
    %c0_i32 = arith.constant 0 : i32
    %c0_i32_0 = arith.constant 0 : i32
    %c0_i32_1 = arith.constant 0 : i32
    return %c0_i32, %c0_i32_0 : i32, i32
  }
  func.func @transform_5(%arg0: i32) -> (i32, i32) {
    %c0_i32 = arith.constant 0 : i32
    %c0_i32_0 = arith.constant 0 : i32
    return %arg0, %c0_i32 : i32, i32
  }
}

</mosaic_0001>

<sc_bundles>
// kernel: kernel.10.cloned.1.call-start
scs
__scs_entry_jumppad:
0x0: {  	(pc) =	sbr.rel $0x88, $3  }
0x1: {  	(tag) =	ssettag $0x0;
	lr =	simm.s32 $0x1  }
0x2: {  	[smem:$0x3F9A] =	sst lr;
	_ =	strace $0xD0000000  }
0x3: {  	_ = 	snop  }
0x4: {  	_ = 	snop  }
0x5: {  	_ = 	snop  }
0x6: {  	_ = 	snop  }
0x7: {  	_ = 	snop  }
__scs_overlays_trampoline_lowered:
0x8: {  	[smem:$0x3FA9] =	sst s0  }
0x9: {  	[smem:$0x3FAA] =	sst s1  }
0xa: {  	[smem:$0x3FAB] =	sst s2  }
0xb: {  	[smem:$0x3FAC] =	sst s3  }
0xc: {  	[smem:$0x3FAD] =	sst s4  }
0xd: {  	[smem:$0x3FAE] =	sst s5  }
0xe: {  	[smem:$0x3FAF] =	sst s6  }
0xf: {  	[smem:$0x3FB0] =	sst s7  }
0x10: {  	[smem:$0x3FB1] =	sst s8  }
0x11: {  	[smem:$0x3FB2] =	sst s9;
	s0 =	simm.s32 @!p0 $0x0  }
0x12: {  	s1 =	sld [smem:$0x3F98];
	s0 =	simm.s32 @p0 $0x1  }
0x13: {  	[smem:$0x3FB3] =	sst s0;
	s0 =	simm.s32 @!p1 $0x0  }
0x14: {  	s2 =	sld [smem:$0x3F97];
	s0 =	simm.s32 @p1 $0x1  }
0x15: {  	[smem:$0x3FB4] =	sst s0;
	s0 =	simm.s32 @!p2 $0x0  }
0x16: {  	s3 =	sld [smem:$0x3FDB];
	s0 =	simm.s32 @p2 $0x1  }
0x17: {  	s4 =	simm.s32 $0x1BF5;
	[smem:$0x3FB6] =	sst s0  }
0x18: {  	s0 =	sld [smem:$0x3F99];
	_ =	swait.ge [sflag:s4], $0x0  }
0x19: {  	s7 =	sld [smem:$0x3F9A]  }
0x1a: {  	s8 =	sadd.s32 $0xFFFFE003, lr  }
0x1b: {  	s9 =	sadd.s32 $0xFFFFFEF7, lr;
	s5 =	simm.s32 $0xFFFFFFFF;
	p2 =	slt.u32 s8, $0xFFFFF086  }
0x1c: {  	p1 =	slt.u32 s9, $0xF7A;
	s5 =	simm.s32 @!p2 $0x0  }
0x1d: {  	s5 =	simm.s32 @p1 $0x1;
	p0 =	seq.s32 s7, s2  }
0x1e: {  	s7 =	smul.u32 @!p0 $0xF7A, s2;
	p2 =	seq.s32 @!p0 s5, $0x0  }
0x1f: {  	s9 =	smul.u32 $0xF7A, s1;
	s8 =	simm.s32 @!p0 $0x1BF5;
	p2 =	por !p2, p0  }
0x20: {  	[sflag:s8] =	ssyncset.s32 @!p0 $0xFFFFF086;
	s6 =	sadd.s32 @!p0 s3, s7;
	s7 =	simm.s32 @!p0 $0x108  }
0x21: {  	s3 =	sadd.s32 s3, s9;
	s6 =	sadd.s32 @!p0 $0x88, s6;
	s7 =	simm.s32 @p2 $0x1082  }
0x22: {  	[simem:s7], [sflag:s8] =	dma.local @!p0 [hbm:s6], $0xF7A  }
0x23: {  	s9 =	sor.u32 $0xD0000000, s2;
	s6 =	simm.s32 $0x108;
	_ =	swait.ge @!p0 [sflag:s8], $0x0  }
0x24: {  	s3 =	sadd.s32 $0x88, s3;
	s6 =	simm.s32 @!p1 $0x1082;
	[sflag:s4] =	ssyncset.s32 $0xFFFFF086  }
0x25: {  	[simem:s6], [sflag:s4] =	dma.local [hbm:s3], $0xF7A  }
0x26: {  	[smem:$0x3F9A] =	sst s1;
	(tag) =	ssettag s2;
	_ =	strace s9  }
0x27: {  	s1 =	sld [smem:$0x3FAA]  }
0x28: {  	s2 =	sld [smem:$0x3FAB]  }
0x29: {  	s4 =	sld [smem:$0x3FAD]  }
0x2a: {  	p0 =	seq.s32 s5, $0x0;
	s5 =	sld [smem:$0x3FAE]  }
0x2b: {  	s6 =	sld [smem:$0x3FAF]  }
0x2c: {  	s7 =	sld [smem:$0x3FB0]  }
0x2d: {  	s3 =	simm.s32 $0x108;
	s8 =	sld [smem:$0x3FB1]  }
0x2e: {  	s3 =	simm.s32 @!p0 $0x1082;
	s9 =	sld [smem:$0x3FB2]  }
0x2f: {  	lr =	sadd.s32 s0, s3;
	s0 =	sld [smem:$0x3FA9]  }
0x30: {  	s3 =	sld [smem:$0x3FAC]  }
0x31: {  	[smem:$0x3FB5] =	sst s10  }
0x32: {  	s10 =	sld [smem:$0x3FB3];
	_ =	sdelay $0x3  }
0x33: {  	p0 =	seq.s32 s10, $0x1;
	s10 =	sld [smem:$0x3FB5];
	_ =	sdelay $0x3  }
0x34: {  	[smem:$0x3FB5] =	sst s10  }
0x35: {  	s10 =	sld [smem:$0x3FB4];
	_ =	sdelay $0x3  }
0x36: {  	p1 =	seq.s32 s10, $0x1;
	s10 =	sld [smem:$0x3FB5];
	_ =	sdelay $0x3  }
0x37: {  	[smem:$0x3FB5] =	sst s10  }
0x38: {  	s10 =	sld [smem:$0x3FB6]  }
0x39: {  	_ = 	snop;
	(pc) =	sbr.ind lr, $3  }
0x3a: {  	_ = 	snop  }
0x3b: {  	_ = 	snop  }
0x3c: {  	p2 =	seq.s32 s10, $0x1;
	s10 =	sld [smem:$0x3FB5]  }
0x3d: {  	_ =	shalt  }
0x3e: {  	_ =	shalt  }
0x3f: {  	_ =	shalt  }
0x40: {  	_ =	shalt  }
0x41: {  	_ =	shalt  }
0x42: {  	_ =	shalt  }
0x43: {  	_ =	shalt  }
0x44: {  	_ =	shalt  }
0x45: {  	_ =	shalt  }
0x46: {  	_ =	shalt  }
0x47: {  	_ =	shalt  }
0x48: {  	_ =	shalt  }
0x49: {  	_ =	shalt  }
0x4a: {  	_ =	shalt  }
0x4b: {  	_ =	shalt  }
0x4c: {  	_ =	shalt  }
0x4d: {  	_ =	shalt  }
0x4e: {  	_ =	shalt  }
0x4f: {  	_ =	shalt  }
0x50: {  	_ =	shalt  }
0x51: {  	_ =	shalt  }
0x52: {  	_ =	shalt  }
0x53: {  	_ =	shalt  }
0x54: {  	_ =	shalt  }
0x55: {  	_ =	shalt  }
0x56: {  	_ =	shalt  }
0x57: {  	_ =	shalt  }
0x58: {  	_ =	shalt  }
0x59: {  	_ =	shalt  }
0x5a: {  	_ =	shalt  }
0x5b: {  	_ =	shalt  }
0x5c: {  	_ =	shalt  }
0x5d: {  	_ =	shalt  }
0x5e: {  	_ =	shalt  }
0x5f: {  	_ =	shalt  }
0x60: {  	_ =	shalt  }
0x61: {  	_ =	shalt  }
0x62: {  	_ =	shalt  }
0x63: {  	_ =	shalt  }
0x64: {  	_ =	shalt  }
0x65: {  	_ =	shalt  }
0x66: {  	_ =	shalt  }
0x67: {  	_ =	shalt  }
0x68: {  	_ =	shalt  }
0x69: {  	_ =	shalt  }
0x6a: {  	_ =	shalt  }
0x6b: {  	_ =	shalt  }
0x6c: {  	_ =	shalt  }
0x6d: {  	_ =	shalt  }
0x6e: {  	_ =	shalt  }
0x6f: {  	_ =	shalt  }
0x70: {  	_ =	shalt  }
0x71: {  	_ =	shalt  }
0x72: {  	_ =	shalt  }
0x73: {  	_ =	shalt  }
0x74: {  	_ =	shalt  }
0x75: {  	_ =	shalt  }
0x76: {  	_ =	shalt  }
0x77: {  	_ =	shalt  }
0x78: {  	_ =	shalt  }
0x79: {  	_ =	shalt  }
0x7a: {  	_ =	shalt  }
0x7b: {  	_ =	shalt  }
0x7c: {  	_ =	shalt  }
0x7d: {  	_ =	shalt  }
0x7e: {  	_ =	shalt  }
0x7f: {  	_ =	shalt  }
0x80: {  	_ =	shalt  }
0x81: {  	_ =	shalt  }
0x82: {  	_ =	shalt  }
0x83: {  	_ =	shalt  }
0x84: {  	_ =	shalt  }
0x85: {  	_ =	shalt  }
0x86: {  	_ =	shalt  }
0x87: {  	_ =	shalt  }
.Lfunc_end0:
.L_simem_size_0:
called_computation.1_lowered:
.L_overlay_start_0:
0x88: {  	s2 =	sld [smem:$0x3FD9]  }
0x89: {  	s3 =	sld [smem:$0x3FFE];
	_ =	sdelay $0x1  }
0x8a: {  	s1 =	srdreg.scid  }
0x8b: {  	s0 =	sand.u32 $0x1, s1  }
0x8c: {  	s14 =	sshll.u32 s0, $0xA;
	s2 =	sadd.s32 s3, s2  }
0x8d: {  	s2 =	sadd.s32 s2, s14  }
0x8e: {  	[smem:$0x3FC1] =	sst s2  }
0x8f: {  	_ = 	snop  }
0x90: {  	s2 =	sld [smem:$0x3FD0];
	_ =	sdelay $0x2  }
0x91: {  	s15 =	simm.s32 $0xA;
	s4 =	simm.s32 $0x10  }
0x92: {  	[smem:s4], [sflag:s15] =	dma.local [hbm:s2], $0x1  }
0x93: {  	_ =	swait.eq [sflag:s15], $0x1  }
0x94: {  	[sflag:s15] =	ssyncset.done $0x0  }
0x95: {  	s16 =	sld [smem:$0x10];
	[sflag:s15] =	ssyncadd.s32 $0xFFFFFFFF  }
0x96: {  	s17 =	sld [smem:$0x12];
	(tm) =	ssettm $0x1  }
0x97: {  	s18 =	sld [smem:$0x3FFB];
	_ =	sdelay $0x3  }
0x98: {  	_ =	strace s18  }
0x99: {  	s4 =	sld [smem:$0x3FFC];
	_ =	sdelay $0x3  }
0x9a: {  	_ =	strace s4  }
0x9b: {  	s4 =	sld [smem:$0x3FFD];
	_ =	sdelay $0x3  }
0x9c: {  	_ =	strace s4  }
0x9d: {  	_ =	strace $0x8FFFFFFF  }
0x9e: {  	s19 =	sld [smem:$0x3FDB];
	_ =	sdelay $0x1  }
0x9f: {  	s5 =	simm.s32 $_scs_section_size  }
0xa0: {  	s6 =	simm.s32 $_size__tile_overlayer_lowered;
	s7 =	simm.s32 $_tile_overlayer_lowered  }
0xa1: {  	s22 =	simm.s32 $0x1BFF;
	s21 =	sshll.u32 s7, $0x1;
	s4 =	sadd.s32 s5, s19  }
0xa2: {  	s8 =	simm.s32 $0x0;
	s20 =	sshll.u32 s6, $0x1;
	s6 =	sadd.s32 s21, s4  }
0xa3: {  	[timem:s8], [sflag:s22] =	dma.local [hbm:s6], s20  }
0xa4: {  	_ =	swait.ge [sflag:s22], s20  }
0xa5: {  	s5 =	ssub.s32 $0x0, s20;
	[sflag:s22] =	ssyncset.done $0x0  }
0xa6: {  	[sflag:s22] =	ssyncadd.s32 s5;
	_ =	sdelay $0x1  }
0xa7: {  	s23 =	simm.s32 $0x1B8B  }
0xa8: {  	_ =	swait.ge [sflag:s23], $0x1  }
0xa9: {  	[sflag:s23] =	ssyncset.done $0x0  }
0xaa: {  	s25 =	simm.s32 $0x1B8E;
	s24 =	sld [smem:$0x3FFE];
	[sflag:s23] =	ssyncadd.s32 $0xFFFFFFFF  }
0xab: {  	s26 =	simm.s32 $execute0_lowered;
	[smem:$0x3FD2] =	sst s25  }
0xac: {  	s6 =	sshll.u32 s26, $0x1;
	_ =	strace $0x80000049;
	[dreg:$0x1] =	wrdreg $0xFFFFFFFF  }
0xad: {  	s28 =	simm.s32 $_size_execute0_lowered;
	s4 =	sadd.s32 s4, s6;
	[dreg:$0x0] =	wrdreg $0x0  }
0xae: {  	s6 =	sshll.u32 s28, $0x1;
	[dreg:$0x2] =	wrdreg s4  }
0xaf: {  	[dreg:$0x3] =	wrdreg s6  }
0xb0: {  	[dreg:$0x4] =	wrdreg $0xC0  }
0xb1: {  	_ =	task [dreg:s8], $0x5FFFF  }
0xb2: {  	[dreg:$0x1] =	wrdreg $0xFFFFFFFF  }
0xb3: {  	[dreg:$0x0] =	wrdreg $0x60  }
0xb4: {  	[dreg:$0x2] =	wrdreg s24  }
0xb5: {  	[dreg:$0x3] =	wrdreg s16  }
0xb6: {  	[dreg:$0x4] =	wrdreg s17  }
0xb7: {  	[dreg:$0x5] =	wrdreg $0xB0000  }
0xb8: {  	[dreg:$0x6] =	wrdreg $0x9  }
0xb9: {  	_ =	task.clear_ibuf [dreg:s8], $0x7FFFF;
	_ =	strace $0x90000049  }
0xba: {  	s29 =	simm.s32 $0x9;
	_ =	strace $0x8000004B  }
0xbb: {  	_ =	swait.ge [sflag:s29], $0x1  }
0xbc: {  	[sflag:s29] =	ssyncadd.s32 $0xFFFFFFFF  }
0xbd: {  	_ =	strace $0x9000004B  }
0xbe: {  	_ =	sfence  }
0xbf: {  	s30 =	sld [smem:$0x0];
	_ =	sdelay $0x2  }
0xc0: {  	s31 =	sshll.u32 s1, $0xD;
	s1 =	sshrl.u32 s1, $0x2  }
0xc1: {  	s3 =	sand.u32 $0x4000, s31;
	s1 =	sadd.s32 s1, s30  }
0xc2: {  	s0 =	sor.u32 s3, s0;
	s1 =	sshll.u32 s1, $0x11  }
0xc3: {  	s0 =	sor.u32 s1, s0  }
0xc4: {  	s0 =	sadd.s32 $0x8F2B, s0  }
0xc5: {  	[sflag:s0] =	ssyncadd.remote.s32 $0x1  }
0xc6: {  	_ =	sfence.sel $0xFFFF  }
0xc7: {  	[dreg:$0x0] =	wrdreg $0xFFFFFFFF;
	(pc) =	sbr.abs _section_cstart, $3  }
0xc8: {  	[dreg:$0x1] =	wrdreg $0xFFFFFFFF  }
0xc9: {  	_ =	task.clear_ibuf [dreg:s8], $0x2FFFF;
	_ =	strace $0x9FFFFFFF  }
0xca: {  	(tm) =	ssettm $0x7FFFFFFF  }
0xcb: {  	_ =	shalt  }
tec
execute0_lowered:
.L_overlay_start_1:
0x0: {  	(tag) =	ssettag $0x1  }
0x1: {  	s5 =	rddreg [dreg:$0x0]  }
0x2: {  	s13 =	rddreg [dreg:$0x1]  }
0x3: {  	s2 =	rddreg [dreg:$0x2]  }
0x4: {  	s3 =	rddreg [dreg:$0x3]  }
0x5: {  	s0 =	rddreg [dreg:$0x4]  }
0x6: {  	s1 =	stileid.u32;
	s6 =	srdreg.scid;
	s4 =	simm.s32 $0x0  }
0x7: {  	s19 =	simm.s32 $0x3000;
	s20 =	simm.s32 $0x7000;
	s21 =	simm.s32 $0x1  }
0x8: {  	s22 =	simm.s32 $0x2;
	s24 =	simm.s32 $0x0;
	s7 =	smul.u32 $0x13C00, s1  }
0x9: {  	s23 =	sand.u32 $0x1, s6;
	[smem:$0x7FF] =	sst s4;
	s29 =	smul.u32 $0x4F000, s1  }
0xa: {  	s12 =	sadd.s32 $0x2200, s5;
	s30 =	sshll.u32 s1, $0x4;
	s10 =	smul.u32 $0x4800, s1  }
0xb: {  	s31 =	sshll.u32 s1, $0x6;
	s6 =	smul.u32 $0x13C000, s23;
	s8 =	ssub.s32 $0x2, s23  }
0xc: {  	_ =	strace $0x8000004A;
	p0 =	seq.s32 s23, $0x0;
	s9 =	sshrl.u32 s8, $0x1  }
0xd: {  	s11 =	sshrl.u32 s10, $0x3;
	s6 =	sadd.s32 s7, s6;
	s7 =	sshrl.u32 s7, $0x3  }
0xe: {  	s15 =	ssub.s32 s8, s9;
	s8 =	smul.u32 $0x90, s1;
	s9 =	sor.u32 $0x900, s30  }
0xf: {  	s17 =	sadd.s32 $0x300, s11;
	s18 =	sadd.s32 $0x600, s11;
	s6 =	sshrl.u32 s6, $0x3  }
0x10: {  	s7 =	sadd.s32 s7, s5;
	s10 =	sadd.s32 s12, s17;
	s11 =	sadd.s32 s13, s17  }
0x11: {  	s15 =	smax.u32 s15, $0x1;
	s17 =	simm.s32 $0x3;
	s14 =	sadd.s32 s6, s5  }
0x12: {  	s5 =	simm.s32 $0x18;
	s6 =	sshrl.u32 s29, $0x2;
	s9 =	smov.u32 @p0 s8  }
.Ltmp0:
0x13: {  	s5 =	simm.s32 @!p0 $0x8;
	s16 =	sadd.s32 s6, s3;
	(pc) =	sbr.rel .LBB2_1-.Ltmp0, $4  }
0x14: {  	s6 =	sadd.s32 $0xC600, s7;
	s9 =	sshll.u32 s9, $0x4;
	s7 =	sor.u32 $0x1C03, s31  }
0x15: {  	s14 =	sadd.s32 $0x33E00, s14;
	p0 =	sne.s32 s23, $0x0;
	s23 =	simm.s32 $0x1800  }
0x16: {  	s8 =	sadd.s32 s12, s9;
	s9 =	sadd.s32 s13, s9;
	s12 =	sadd.s32 s12, s18  }
0x17: {  	s13 =	sadd.s32 s13, s18;
	s16 =	sshrl.u32 s16, $0x3;
	s18 =	simm.s32 $0x80  }
.LBB2_9:
0x18: {  	s24 =	sadd.s32 $0x1, s24  }
0x19: {  	p1 =	sne.s32 s24, s15  }
.Ltmp1:
0x1a: {  	[bflag:$0x0] =	sbarrier.arrive $0xFFFF;
	(pc) =	sbr.rel @!p1 .LBB2_10-.Ltmp1, $4  }
0x1b: {  	[hbm:s14], [sflag:s7] =	dma.local [spmem:s16], $0x2780  }
0x1c: {  	_ =	swait.ge [sflag:s17], $0x2780  }
0x1d: {  	[sflag:s17] =	ssyncset.done $0x0  }
0x1e: {  	[sflag:s17] =	ssyncadd.s32 $0xFFFFD880  }
.LBB2_1:
0x1f: {  	[spmem:s16], [sflag:s7] =	dma.local [hbm:s6], $0x2780  }
0x20: {  	_ =	swait.ge [sflag:s17], $0x2780  }
0x21: {  	[sflag:s17] =	ssyncset.done $0x0  }
0x22: {  	[sflag:s17] =	ssyncadd.s32 $0xFFFFD880  }
0x23: {  	[bflag:$0x0] =	sbarrier.arrive $0xFFFF  }
0x24: {  	[tilespmem:s4], [sflag:$0x3] =	stream.linear.gather [hbm4b:s8+s4], $0x1800, $0x38;
	[tilespmem:$0x1EC00] =	vst v63  }
0x25: {  	_ =	swait.ge [sflag:s17], $0x1800  }
0x26: {  	[sflag:s17] =	ssyncset.done $0x0  }
0x27: {  	[sflag:s17] =	ssyncadd.s32 $0xFFFFE800  }
0x28: {  	[tilespmem:s23], [sflag:$0x3] =	stream.linear.gather [hbm4b:s9+s4], $0x1800, $0x38;
	[tilespmem:$0x1EC00] =	vst v63  }
0x29: {  	_ =	swait.ge [sflag:s17], $0x1800  }
0x2a: {  	[sflag:s17] =	ssyncset.done $0x0  }
0x2b: {  	[sflag:s17] =	ssyncadd.s32 $0xFFFFE800  }
0x2c: {  	[tilespmem:s19], [sflag:$0x1] =	stream.indirect.gather [hbm4b:s2+s18], $0x80, s4, s18, $0xb8;
	[tilespmem:$0x1EC00] =	vst v63  }
0x2d: {  	s25 =	simm.s32 $0x80  }
0x2e: {  	[tilespmem:s20], [sflag:$0x1] =	stream.indirect.gather [hbm4b:s2+s18], $0x80, s25, s18, $0xb8;
	[tilespmem:$0x1EC00] =	vst v63  }
0x2f: {  	_ =	swait.ge [sflag:s21], $0x4000  }
0x30: {  	[sflag:s21] =	ssyncset.done $0x0  }
0x31: {  	[sflag:s21] =	ssyncadd.s32 $0xFFFFC000  }
0x32: {  	_ =	swait.ge [sflag:s21], $0x4000  }
0x33: {  	[sflag:s21] =	ssyncset.done $0x0  }
0x34: {  	[sflag:s21] =	ssyncadd.s32 $0xFFFFC000  }
0x35: {  	[spmem:s3] =	stream.indirect.scatter.add.f32 [tilespmem:s19], [sflag:$0x2], $0x80, s23, s18, $0xb8;
	[tilespmem:$0x1EC00] =	vst v63  }
0x36: {  	s31 =	simm.s32 $0x1880;
	p1 =	sne.s32 s5, $0x1  }
0x37: {  	[spmem:s3] =	stream.indirect.scatter.add.f32 [tilespmem:s20], [sflag:$0x2], $0x80, s31, s18, $0xb8;
	[tilespmem:$0x1EC00] =	vst v63  }
.Ltmp2:
0x38: {  	_ =	swait.ge [sflag:s22], $0x4000;
	(pc) =	sbr.rel @!p1 .LBB2_3-.Ltmp2, $4  }
0x39: {  	[sflag:s22] =	ssyncset.done $0x0  }
0x3a: {  	[sflag:s22] =	ssyncadd.s32 $0xFFFFC000  }
0x3b: {  	s26 =	simm.s32 $0x0;
	_ =	swait.ge [sflag:s22], $0x4000  }
0x3c: {  	s28 =	simm.s32 $0x1800;
	s25 =	sadd.s32 $0xFFFFFFFF, s5;
	[sflag:s22] =	ssyncset.done $0x0  }
.LBB2_2:
0x3d: {  	[sflag:s22] =	ssyncadd.s32 $0xFFFFC000;
	s26 =	sadd.s32 $0x100, s26;
	s28 =	sadd.s32 $0x100, s28  }
0x3e: {  	[tilespmem:s19], [sflag:$0x1] =	stream.indirect.gather [hbm4b:s2+s18], $0x80, s26, s18, $0xb8;
	[tilespmem:$0x1EC00] =	vst v63  }
0x3f: {  	p1 =	sne.s32 s25, $0x1;
	s25 =	sadd.s32 $0xFFFFFFFF, s25;
	s29 =	sadd.s32 $0x80, s26  }
0x40: {  	[tilespmem:s20], [sflag:$0x1] =	stream.indirect.gather [hbm4b:s2+s18], $0x80, s29, s18, $0xb8;
	[tilespmem:$0x1EC00] =	vst v63  }
0x41: {  	_ =	swait.ge [sflag:s21], $0x4000  }
0x42: {  	[sflag:s21] =	ssyncset.done $0x0  }
0x43: {  	[sflag:s21] =	ssyncadd.s32 $0xFFFFC000  }
0x44: {  	_ =	swait.ge [sflag:s21], $0x4000  }
0x45: {  	[sflag:s21] =	ssyncset.done $0x0  }
0x46: {  	[sflag:s21] =	ssyncadd.s32 $0xFFFFC000  }
0x47: {  	[spmem:s3] =	stream.indirect.scatter.add.f32 [tilespmem:s19], [sflag:$0x2], $0x80, s28, s18, $0xb8;
	[tilespmem:$0x1EC00] =	vst v63  }
0x48: {  	s29 =	sadd.s32 $0x80, s28  }
0x49: {  	[spmem:s3] =	stream.indirect.scatter.add.f32 [tilespmem:s20], [sflag:$0x2], $0x80, s29, s18, $0xb8;
	[tilespmem:$0x1EC00] =	vst v63  }
.Ltmp3:
0x4a: {  	_ =	swait.ge [sflag:s22], $0x4000;
	(pc) =	sbr.rel @p1 .LBB2_2-.Ltmp3, $4  }
0x4b: {  	[sflag:s22] =	ssyncset.done $0x0  }
0x4c: {  	[sflag:s22] =	ssyncadd.s32 $0xFFFFC000  }
0x4d: {  	_ =	swait.ge [sflag:s22], $0x4000  }
0x4e: {  	[sflag:s22] =	ssyncset.done $0x0  }
.LBB2_3:
.Ltmp4:
0x4f: {  	(pc) =	sbr.rel @p0 .LBB2_9-.Ltmp4, $2  }
0x50: {  	_ =	sdelay $0x2  }
0x51: {  	[sflag:s22] =	ssyncadd.s32 $0xFFFFC000  }
0x52: {  	s25 =	simm.s32 $0x0  }
0x53: {  	[tilespmem:s25], [sflag:$0x3] =	stream.linear.gather [hbm4b:s10+s25], $0x1800, $0x38;
	[tilespmem:$0x1EC00] =	vst v63  }
0x54: {  	_ =	swait.ge [sflag:s17], $0x1800  }
0x55: {  	[sflag:s17] =	ssyncset.done $0x0  }
0x56: {  	[sflag:s17] =	ssyncadd.s32 $0xFFFFE800  }
0x57: {  	[tilespmem:s23], [sflag:$0x3] =	stream.linear.gather [hbm4b:s11+s25], $0x1800, $0x38;
	[tilespmem:$0x1EC00] =	vst v63  }
0x58: {  	_ =	swait.ge [sflag:s17], $0x1800  }
0x59: {  	[sflag:s17] =	ssyncset.done $0x0  }
0x5a: {  	s28 =	simm.s32 $0x0;
	[sflag:s17] =	ssyncadd.s32 $0xFFFFE800  }
0x5b: {  	[tilespmem:s19], [sflag:$0x1] =	stream.indirect.gather [hbm4b:s2+s18], $0x80, s28, s18, $0xb8;
	[tilespmem:$0x1EC00] =	vst v63  }
0x5c: {  	s29 =	simm.s32 $0x80  }
0x5d: {  	[tilespmem:s20], [sflag:$0x1] =	stream.indirect.gather [hbm4b:s2+s18], $0x80, s29, s18, $0xb8;
	[tilespmem:$0x1EC00] =	vst v63  }
0x5e: {  	_ =	swait.ge [sflag:s21], $0x4000  }
0x5f: {  	[sflag:s21] =	ssyncset.done $0x0  }
0x60: {  	[sflag:s21] =	ssyncadd.s32 $0xFFFFC000  }
0x61: {  	_ =	swait.ge [sflag:s21], $0x4000  }
0x62: {  	[sflag:s21] =	ssyncset.done $0x0  }
0x63: {  	s30 =	simm.s32 $0x1800;
	[sflag:s21] =	ssyncadd.s32 $0xFFFFC000  }
0x64: {  	[spmem:s3] =	stream.indirect.scatter.add.f32 [tilespmem:s19], [sflag:$0x2], $0x80, s30, s18, $0xb8;
	[tilespmem:$0x1EC00] =	vst v63  }
0x65: {  	s31 =	simm.s32 $0x1880  }
0x66: {  	[spmem:s3] =	stream.indirect.scatter.add.f32 [tilespmem:s20], [sflag:$0x2], $0x80, s31, s18, $0xb8;
	[tilespmem:$0x1EC00] =	vst v63  }
0x67: {  	_ =	swait.ge [sflag:s22], $0x4000  }
0x68: {  	[sflag:s22] =	ssyncset.done $0x0  }
0x69: {  	[sflag:s22] =	ssyncadd.s32 $0xFFFFC000  }
0x6a: {  	_ =	swait.ge [sflag:s22], $0x4000  }
0x6b: {  	s26 =	simm.s32 $0x800;
	s25 =	simm.s32 $0x400;
	[sflag:s22] =	ssyncset.done $0x0  }
.LBB2_5:
0x6c: {  	s28 =	sshra.s32 s25, $0x2  }
0x6d: {  	[sflag:s22] =	ssyncadd.s32 $0xFFFFC000;
	s25 =	smov.u32 s26;
	s29 =	sadd.s32 $0x400, s26  }
0x6e: {  	[tilespmem:s19], [sflag:$0x1] =	stream.indirect.gather [hbm4b:s2+s18], $0x80, s28, s18, $0xb8;
	[tilespmem:$0x1EC00] =	vst v63  }
0x6f: {  	p1 =	sne.s32 s26, $0x5C00;
	s26 =	sadd.s32 $0x80, s28  }
0x70: {  	[tilespmem:s20], [sflag:$0x1] =	stream.indirect.gather [hbm4b:s2+s18], $0x80, s26, s18, $0xb8;
	[tilespmem:$0x1EC00] =	vst v63  }
0x71: {  	_ =	swait.ge [sflag:s21], $0x4000  }
0x72: {  	[sflag:s21] =	ssyncset.done $0x0  }
0x73: {  	[sflag:s21] =	ssyncadd.s32 $0xFFFFC000  }
0x74: {  	_ =	swait.ge [sflag:s21], $0x4000  }
0x75: {  	[sflag:s21] =	ssyncset.done $0x0  }
0x76: {  	s26 =	sadd.s32 $0x1800, s28;
	[sflag:s21] =	ssyncadd.s32 $0xFFFFC000  }
0x77: {  	[spmem:s3] =	stream.indirect.scatter.add.f32 [tilespmem:s19], [sflag:$0x2], $0x80, s26, s18, $0xb8;
	[tilespmem:$0x1EC00] =	vst v63  }
0x78: {  	s26 =	sadd.s32 $0x1880, s28  }
0x79: {  	[spmem:s3] =	stream.indirect.scatter.add.f32 [tilespmem:s20], [sflag:$0x2], $0x80, s26, s18, $0xb8;
	[tilespmem:$0x1EC00] =	vst v63  }
.Ltmp5:
0x7a: {  	_ =	swait.ge [sflag:s22], $0x4000;
	(pc) =	sbr.rel @p1 .LBB2_5-.Ltmp5, $4  }
0x7b: {  	[sflag:s22] =	ssyncset.done $0x0  }
0x7c: {  	[sflag:s22] =	ssyncadd.s32 $0xFFFFC000  }
0x7d: {  	_ =	swait.ge [sflag:s22], $0x4000  }
0x7e: {  	s26 =	smov.u32 s29;
	[sflag:s22] =	ssyncset.done $0x0  }
0x7f: {  	s25 =	sshra.s32 s25, $0x2;
	[sflag:s22] =	ssyncadd.s32 $0xFFFFC000  }
0x80: {  	[tilespmem:s19], [sflag:$0x1] =	stream.indirect.gather [hbm4b:s2+s18], $0x80, s25, s18, $0xb8;
	[tilespmem:$0x1EC00] =	vst v63  }
0x81: {  	s26 =	sadd.s32 $0x80, s25  }
0x82: {  	[tilespmem:s20], [sflag:$0x1] =	stream.indirect.gather [hbm4b:s2+s18], $0x80, s26, s18, $0xb8;
	[tilespmem:$0x1EC00] =	vst v63  }
0x83: {  	_ =	swait.ge [sflag:s21], $0x4000  }
0x84: {  	[sflag:s21] =	ssyncset.done $0x0  }
0x85: {  	[sflag:s21] =	ssyncadd.s32 $0xFFFFC000  }
0x86: {  	_ =	swait.ge [sflag:s21], $0x4000  }
0x87: {  	[sflag:s21] =	ssyncset.done $0x0  }
0x88: {  	s31 =	sadd.s32 $0x1800, s25;
	[sflag:s21] =	ssyncadd.s32 $0xFFFFC000  }
0x89: {  	[spmem:s3] =	stream.indirect.scatter.add.f32 [tilespmem:s19], [sflag:$0x2], $0x80, s31, s18, $0xb8;
	[tilespmem:$0x1EC00] =	vst v63  }
0x8a: {  	s25 =	sadd.s32 $0x1880, s25  }
0x8b: {  	[spmem:s3] =	stream.indirect.scatter.add.f32 [tilespmem:s20], [sflag:$0x2], $0x80, s25, s18, $0xb8;
	[tilespmem:$0x1EC00] =	vst v63  }
0x8c: {  	_ =	swait.ge [sflag:s22], $0x4000  }
0x8d: {  	[sflag:s22] =	ssyncset.done $0x0  }
0x8e: {  	[sflag:s22] =	ssyncadd.s32 $0xFFFFC000  }
0x8f: {  	_ =	swait.ge [sflag:s22], $0x4000  }
0x90: {  	[sflag:s22] =	ssyncset.done $0x0  }
0x91: {  	s26 =	simm.s32 $0x0;
	[sflag:s22] =	ssyncadd.s32 $0xFFFFC000  }
0x92: {  	[tilespmem:s26], [sflag:$0x3] =	stream.linear.gather [hbm4b:s12+s26], $0x1800, $0x38;
	[tilespmem:$0x1EC00] =	vst v63  }
0x93: {  	_ =	swait.ge [sflag:s17], $0x1800  }
0x94: {  	[sflag:s17] =	ssyncset.done $0x0  }
0x95: {  	[sflag:s17] =	ssyncadd.s32 $0xFFFFE800  }
0x96: {  	[tilespmem:s23], [sflag:$0x3] =	stream.linear.gather [hbm4b:s13+s26], $0x1800, $0x38;
	[tilespmem:$0x1EC00] =	vst v63  }
0x97: {  	_ =	swait.ge [sflag:s17], $0x1800  }
0x98: {  	[sflag:s17] =	ssyncset.done $0x0  }
0x99: {  	s28 =	simm.s32 $0x0;
	[sflag:s17] =	ssyncadd.s32 $0xFFFFE800  }
0x9a: {  	[tilespmem:s19], [sflag:$0x1] =	stream.indirect.gather [hbm4b:s2+s18], $0x80, s28, s18, $0xb8;
	[tilespmem:$0x1EC00] =	vst v63  }
0x9b: {  	s29 =	simm.s32 $0x80  }
0x9c: {  	[tilespmem:s20], [sflag:$0x1] =	stream.indirect.gather [hbm4b:s2+s18], $0x80, s29, s18, $0xb8;
	[tilespmem:$0x1EC00] =	vst v63  }
0x9d: {  	_ =	swait.ge [sflag:s21], $0x4000  }
0x9e: {  	[sflag:s21] =	ssyncset.done $0x0  }
0x9f: {  	[sflag:s21] =	ssyncadd.s32 $0xFFFFC000  }
0xa0: {  	_ =	swait.ge [sflag:s21], $0x4000  }
0xa1: {  	[sflag:s21] =	ssyncset.done $0x0  }
0xa2: {  	s30 =	simm.s32 $0x1800;
	[sflag:s21] =	ssyncadd.s32 $0xFFFFC000  }
0xa3: {  	[spmem:s3] =	stream.indirect.scatter.add.f32 [tilespmem:s19], [sflag:$0x2], $0x80, s30, s18, $0xb8;
	[tilespmem:$0x1EC00] =	vst v63  }
0xa4: {  	s31 =	simm.s32 $0x1880  }
0xa5: {  	[spmem:s3] =	stream.indirect.scatter.add.f32 [tilespmem:s20], [sflag:$0x2], $0x80, s31, s18, $0xb8;
	[tilespmem:$0x1EC00] =	vst v63  }
0xa6: {  	_ =	swait.ge [sflag:s22], $0x4000  }
0xa7: {  	[sflag:s22] =	ssyncset.done $0x0  }
0xa8: {  	[sflag:s22] =	ssyncadd.s32 $0xFFFFC000  }
0xa9: {  	_ =	swait.ge [sflag:s22], $0x4000  }
0xaa: {  	s25 =	simm.s32 $0x400;
	s26 =	simm.s32 $0x800;
	[sflag:s22] =	ssyncset.done $0x0  }
.LBB2_7:
0xab: {  	s28 =	sshra.s32 s25, $0x2  }
0xac: {  	[sflag:s22] =	ssyncadd.s32 $0xFFFFC000;
	s25 =	smov.u32 s26;
	s29 =	sadd.s32 $0x400, s26  }
0xad: {  	[tilespmem:s19], [sflag:$0x1] =	stream.indirect.gather [hbm4b:s2+s18], $0x80, s28, s18, $0xb8;
	[tilespmem:$0x1EC00] =	vst v63  }
0xae: {  	p1 =	sne.s32 s26, $0x5C00;
	s26 =	sadd.s32 $0x80, s28  }
0xaf: {  	[tilespmem:s20], [sflag:$0x1] =	stream.indirect.gather [hbm4b:s2+s18], $0x80, s26, s18, $0xb8;
	[tilespmem:$0x1EC00] =	vst v63  }
0xb0: {  	_ =	swait.ge [sflag:s21], $0x4000  }
0xb1: {  	[sflag:s21] =	ssyncset.done $0x0  }
0xb2: {  	[sflag:s21] =	ssyncadd.s32 $0xFFFFC000  }
0xb3: {  	_ =	swait.ge [sflag:s21], $0x4000  }
0xb4: {  	[sflag:s21] =	ssyncset.done $0x0  }
0xb5: {  	s26 =	sadd.s32 $0x1800, s28;
	[sflag:s21] =	ssyncadd.s32 $0xFFFFC000  }
0xb6: {  	[spmem:s3] =	stream.indirect.scatter.add.f32 [tilespmem:s19], [sflag:$0x2], $0x80, s26, s18, $0xb8;
	[tilespmem:$0x1EC00] =	vst v63  }
0xb7: {  	s26 =	sadd.s32 $0x1880, s28  }
0xb8: {  	[spmem:s3] =	stream.indirect.scatter.add.f32 [tilespmem:s20], [sflag:$0x2], $0x80, s26, s18, $0xb8;
	[tilespmem:$0x1EC00] =	vst v63  }
.Ltmp6:
0xb9: {  	_ =	swait.ge [sflag:s22], $0x4000;
	(pc) =	sbr.rel @p1 .LBB2_7-.Ltmp6, $4  }
0xba: {  	[sflag:s22] =	ssyncset.done $0x0  }
0xbb: {  	[sflag:s22] =	ssyncadd.s32 $0xFFFFC000  }
0xbc: {  	_ =	swait.ge [sflag:s22], $0x4000  }
0xbd: {  	s26 =	smov.u32 s29;
	[sflag:s22] =	ssyncset.done $0x0  }
0xbe: {  	s25 =	sshra.s32 s25, $0x2;
	[sflag:s22] =	ssyncadd.s32 $0xFFFFC000  }
0xbf: {  	[tilespmem:s19], [sflag:$0x1] =	stream.indirect.gather [hbm4b:s2+s18], $0x80, s25, s18, $0xb8;
	[tilespmem:$0x1EC00] =	vst v63  }
0xc0: {  	s26 =	sadd.s32 $0x80, s25  }
0xc1: {  	[tilespmem:s20], [sflag:$0x1] =	stream.indirect.gather [hbm4b:s2+s18], $0x80, s26, s18, $0xb8;
	[tilespmem:$0x1EC00] =	vst v63  }
0xc2: {  	_ =	swait.ge [sflag:s21], $0x4000  }
0xc3: {  	[sflag:s21] =	ssyncset.done $0x0  }
0xc4: {  	[sflag:s21] =	ssyncadd.s32 $0xFFFFC000  }
0xc5: {  	_ =	swait.ge [sflag:s21], $0x4000  }
0xc6: {  	[sflag:s21] =	ssyncset.done $0x0  }
0xc7: {  	s31 =	sadd.s32 $0x1800, s25;
	[sflag:s21] =	ssyncadd.s32 $0xFFFFC000  }
0xc8: {  	[spmem:s3] =	stream.indirect.scatter.add.f32 [tilespmem:s19], [sflag:$0x2], $0x80, s31, s18, $0xb8;
	[tilespmem:$0x1EC00] =	vst v63  }
0xc9: {  	s25 =	sadd.s32 $0x1880, s25  }
0xca: {  	[spmem:s3] =	stream.indirect.scatter.add.f32 [tilespmem:s20], [sflag:$0x2], $0x80, s25, s18, $0xb8;
	[tilespmem:$0x1EC00] =	vst v63  }
0xcb: {  	_ =	swait.ge [sflag:s22], $0x4000  }
.Ltmp7:
0xcc: {  	[sflag:s22] =	ssyncset.done $0x0;
	(pc) =	sbr.rel .LBB2_9-.Ltmp7, $4  }
0xcd: {  	[sflag:s22] =	ssyncadd.s32 $0xFFFFC000  }
0xce: {  	_ =	swait.ge [sflag:s22], $0x4000  }
0xcf: {  	[sflag:s22] =	ssyncset.done $0x0  }
0xd0: {  	[sflag:s22] =	ssyncadd.s32 $0xFFFFC000  }
.LBB2_10:
0xd1: {  	_ =	sfence.sel $0x180000  }
0xd2: {  	[bflag:$0x0] =	sbarrier.arrive $0xFFFF  }
0xd3: {  	p0 =	sne.s32 s1, $0x0;
	_ =	strace $0x9000004A  }
0xd4: {  	s0 =	sadd.s32 @!p0 $0x100000, s0;
	[bflag:$0x2] =	sbarrier.arrive $0xFFFF  }
0xd5: {  	[sflag:s0] =	ssyncadd.tile.s32 @!p0 $0x1;
	_ =	shalt  }
.Lfunc_end2:
_tile_overlayer_lowered:
.L_overlay_start_2:
0xd6: {  	(tag) =	ssettag $0x2  }
0xd7: {  	s0 =	rddreg [dreg:$0x0];
	s2 =	stileid.u32  }
0xd8: {  	s1 =	rddreg [dreg:$0x1];
	p0 =	sne.s32 s2, $0x0  }
0xd9: {  	s3 =	rddreg [dreg:$0x2];
	[bflag:$0x3] =	sbarrier.arrive $0xFFFF;
	s2 =	simm.s32 @!p0 $0x1C03  }
0xda: {  	[timem:s3], [sflag:s2] =	dma.local @!p0 [hbm:s0], s1  }
0xdb: {  	s0 =	simm.s32 @!p0 $0x3  }
0xdc: {  	_ =	swait.ge @!p0 [sflag:s0], s1  }
0xdd: {  	s1 =	ssub.s32 @!p0 $0x0, s1;
	[sflag:s0] =	ssyncset.done @!p0 $0x0  }
0xde: {  	[sflag:s0] =	ssyncadd.s32 @!p0 s1  }
0xdf: {  	[bflag:$0x3] =	sbarrier.arrive $0xFFFF  }
0xe0: {  	_ =	shalt  }

// kernel: kernel.7.cloned.1.call-start
scs
__scs_entry_jumppad:
0x0: {  	(pc) =	sbr.rel $0x88, $3  }
0x1: {  	(tag) =	ssettag $0x0;
	lr =	simm.s32 $0x1  }
0x2: {  	[smem:$0x3F9A] =	sst lr;
	_ =	strace $0xD0000000  }
0x3: {  	_ = 	snop  }
0x4: {  	_ = 	snop  }
0x5: {  	_ = 	snop  }
0x6: {  	_ = 	snop  }
0x7: {  	_ = 	snop  }
__scs_overlays_trampoline_lowered:
0x8: {  	[smem:$0x3FA9] =	sst s0  }
0x9: {  	[smem:$0x3FAA] =	sst s1  }
0xa: {  	[smem:$0x3FAB] =	sst s2  }
0xb: {  	[smem:$0x3FAC] =	sst s3  }
0xc: {  	[smem:$0x3FAD] =	sst s4  }
0xd: {  	[smem:$0x3FAE] =	sst s5  }
0xe: {  	[smem:$0x3FAF] =	sst s6  }
0xf: {  	[smem:$0x3FB0] =	sst s7  }
0x10: {  	[smem:$0x3FB1] =	sst s8  }
0x11: {  	[smem:$0x3FB2] =	sst s9;
	s0 =	simm.s32 @!p0 $0x0  }
0x12: {  	s1 =	sld [smem:$0x3F98];
	s0 =	simm.s32 @p0 $0x1  }
0x13: {  	[smem:$0x3FB3] =	sst s0;
	s0 =	simm.s32 @!p1 $0x0  }
0x14: {  	s2 =	sld [smem:$0x3F97];
	s0 =	simm.s32 @p1 $0x1  }
0x15: {  	[smem:$0x3FB4] =	sst s0;
	s0 =	simm.s32 @!p2 $0x0  }
0x16: {  	s3 =	sld [smem:$0x3FDB];
	s0 =	simm.s32 @p2 $0x1  }
0x17: {  	s4 =	simm.s32 $0x1BF5;
	[smem:$0x3FB6] =	sst s0  }
0x18: {  	s0 =	sld [smem:$0x3F99];
	_ =	swait.ge [sflag:s4], $0x0  }
0x19: {  	s7 =	sld [smem:$0x3F9A]  }
0x1a: {  	s8 =	sadd.s32 $0xFFFFE003, lr  }
0x1b: {  	s9 =	sadd.s32 $0xFFFFFEF7, lr;
	s5 =	simm.s32 $0xFFFFFFFF;
	p2 =	slt.u32 s8, $0xFFFFF086  }
0x1c: {  	p1 =	slt.u32 s9, $0xF7A;
	s5 =	simm.s32 @!p2 $0x0  }
0x1d: {  	s5 =	simm.s32 @p1 $0x1;
	p0 =	seq.s32 s7, s2  }
0x1e: {  	s7 =	smul.u32 @!p0 $0xF7A, s2;
	p2 =	seq.s32 @!p0 s5, $0x0  }
0x1f: {  	s9 =	smul.u32 $0xF7A, s1;
	s8 =	simm.s32 @!p0 $0x1BF5;
	p2 =	por !p2, p0  }
0x20: {  	[sflag:s8] =	ssyncset.s32 @!p0 $0xFFFFF086;
	s6 =	sadd.s32 @!p0 s3, s7;
	s7 =	simm.s32 @!p0 $0x108  }
0x21: {  	s3 =	sadd.s32 s3, s9;
	s6 =	sadd.s32 @!p0 $0x88, s6;
	s7 =	simm.s32 @p2 $0x1082  }
0x22: {  	[simem:s7], [sflag:s8] =	dma.local @!p0 [hbm:s6], $0xF7A  }
0x23: {  	s9 =	sor.u32 $0xD0000000, s2;
	s6 =	simm.s32 $0x108;
	_ =	swait.ge @!p0 [sflag:s8], $0x0  }
0x24: {  	s3 =	sadd.s32 $0x88, s3;
	s6 =	simm.s32 @!p1 $0x1082;
	[sflag:s4] =	ssyncset.s32 $0xFFFFF086  }
0x25: {  	[simem:s6], [sflag:s4] =	dma.local [hbm:s3], $0xF7A  }
0x26: {  	[smem:$0x3F9A] =	sst s1;
	(tag) =	ssettag s2;
	_ =	strace s9  }
0x27: {  	s1 =	sld [smem:$0x3FAA]  }
0x28: {  	s2 =	sld [smem:$0x3FAB]  }
0x29: {  	s4 =	sld [smem:$0x3FAD]  }
0x2a: {  	p0 =	seq.s32 s5, $0x0;
	s5 =	sld [smem:$0x3FAE]  }
0x2b: {  	s6 =	sld [smem:$0x3FAF]  }
0x2c: {  	s7 =	sld [smem:$0x3FB0]  }
0x2d: {  	s3 =	simm.s32 $0x108;
	s8 =	sld [smem:$0x3FB1]  }
0x2e: {  	s3 =	simm.s32 @!p0 $0x1082;
	s9 =	sld [smem:$0x3FB2]  }
0x2f: {  	lr =	sadd.s32 s0, s3;
	s0 =	sld [smem:$0x3FA9]  }
0x30: {  	s3 =	sld [smem:$0x3FAC]  }
0x31: {  	[smem:$0x3FB5] =	sst s10  }
0x32: {  	s10 =	sld [smem:$0x3FB3];
	_ =	sdelay $0x3  }
0x33: {  	p0 =	seq.s32 s10, $0x1;
	s10 =	sld [smem:$0x3FB5];
	_ =	sdelay $0x3  }
0x34: {  	[smem:$0x3FB5] =	sst s10  }
0x35: {  	s10 =	sld [smem:$0x3FB4];
	_ =	sdelay $0x3  }
0x36: {  	p1 =	seq.s32 s10, $0x1;
	s10 =	sld [smem:$0x3FB5];
	_ =	sdelay $0x3  }
0x37: {  	[smem:$0x3FB5] =	sst s10  }
0x38: {  	s10 =	sld [smem:$0x3FB6]  }
0x39: {  	_ = 	snop;
	(pc) =	sbr.ind lr, $3  }
0x3a: {  	_ = 	snop  }
0x3b: {  	_ = 	snop  }
0x3c: {  	p2 =	seq.s32 s10, $0x1;
	s10 =	sld [smem:$0x3FB5]  }
0x3d: {  	_ =	shalt  }
0x3e: {  	_ =	shalt  }
0x3f: {  	_ =	shalt  }
0x40: {  	_ =	shalt  }
0x41: {  	_ =	shalt  }
0x42: {  	_ =	shalt  }
0x43: {  	_ =	shalt  }
0x44: {  	_ =	shalt  }
0x45: {  	_ =	shalt  }
0x46: {  	_ =	shalt  }
0x47: {  	_ =	shalt  }
0x48: {  	_ =	shalt  }
0x49: {  	_ =	shalt  }
0x4a: {  	_ =	shalt  }
0x4b: {  	_ =	shalt  }
0x4c: {  	_ =	shalt  }
0x4d: {  	_ =	shalt  }
0x4e: {  	_ =	shalt  }
0x4f: {  	_ =	shalt  }
0x50: {  	_ =	shalt  }
0x51: {  	_ =	shalt  }
0x52: {  	_ =	shalt  }
0x53: {  	_ =	shalt  }
0x54: {  	_ =	shalt  }
0x55: {  	_ =	shalt  }
0x56: {  	_ =	shalt  }
0x57: {  	_ =	shalt  }
0x58: {  	_ =	shalt  }
0x59: {  	_ =	shalt  }
0x5a: {  	_ =	shalt  }
0x5b: {  	_ =	shalt  }
0x5c: {  	_ =	shalt  }
0x5d: {  	_ =	shalt  }
0x5e: {  	_ =	shalt  }
0x5f: {  	_ =	shalt  }
0x60: {  	_ =	shalt  }
0x61: {  	_ =	shalt  }
0x62: {  	_ =	shalt  }
0x63: {  	_ =	shalt  }
0x64: {  	_ =	shalt  }
0x65: {  	_ =	shalt  }
0x66: {  	_ =	shalt  }
0x67: {  	_ =	shalt  }
0x68: {  	_ =	shalt  }
0x69: {  	_ =	shalt  }
0x6a: {  	_ =	shalt  }
0x6b: {  	_ =	shalt  }
0x6c: {  	_ =	shalt  }
0x6d: {  	_ =	shalt  }
0x6e: {  	_ =	shalt  }
0x6f: {  	_ =	shalt  }
0x70: {  	_ =	shalt  }
0x71: {  	_ =	shalt  }
0x72: {  	_ =	shalt  }
0x73: {  	_ =	shalt  }
0x74: {  	_ =	shalt  }
0x75: {  	_ =	shalt  }
0x76: {  	_ =	shalt  }
0x77: {  	_ =	shalt  }
0x78: {  	_ =	shalt  }
0x79: {  	_ =	shalt  }
0x7a: {  	_ =	shalt  }
0x7b: {  	_ =	shalt  }
0x7c: {  	_ =	shalt  }
0x7d: {  	_ =	shalt  }
0x7e: {  	_ =	shalt  }
0x7f: {  	_ =	shalt  }
0x80: {  	_ =	shalt  }
0x81: {  	_ =	shalt  }
0x82: {  	_ =	shalt  }
0x83: {  	_ =	shalt  }
0x84: {  	_ =	shalt  }
0x85: {  	_ =	shalt  }
0x86: {  	_ =	shalt  }
0x87: {  	_ =	shalt  }
.Lfunc_end0:
.L_simem_size_0:
called_computation_lowered:
.L_overlay_start_0:
0x88: {  	s2 =	sld [smem:$0x3FD9]  }
0x89: {  	s3 =	sld [smem:$0x3FFE];
	_ =	sdelay $0x1  }
0x8a: {  	s1 =	srdreg.scid  }
0x8b: {  	s0 =	sand.u32 $0x1, s1  }
0x8c: {  	s14 =	sshll.u32 s0, $0xA;
	s2 =	sadd.s32 s3, s2  }
0x8d: {  	s2 =	sadd.s32 s2, s14  }
0x8e: {  	[smem:$0x3FC1] =	sst s2  }
0x8f: {  	_ = 	snop  }
0x90: {  	s2 =	sld [smem:$0x3FD0];
	_ =	sdelay $0x2  }
0x91: {  	s15 =	simm.s32 $0xA;
	s4 =	simm.s32 $0x10  }
0x92: {  	[smem:s4], [sflag:s15] =	dma.local [hbm:s2], $0x1  }
0x93: {  	_ =	swait.eq [sflag:s15], $0x1  }
0x94: {  	[sflag:s15] =	ssyncset.done $0x0  }
0x95: {  	s16 =	sld [smem:$0x10];
	[sflag:s15] =	ssyncadd.s32 $0xFFFFFFFF  }
0x96: {  	s17 =	sld [smem:$0x11];
	(tm) =	ssettm $0x1  }
0x97: {  	s18 =	sld [smem:$0x3FFB];
	_ =	sdelay $0x3  }
0x98: {  	_ =	strace s18  }
0x99: {  	s4 =	sld [smem:$0x3FFC];
	_ =	sdelay $0x3  }
0x9a: {  	_ =	strace s4  }
0x9b: {  	s4 =	sld [smem:$0x3FFD];
	_ =	sdelay $0x3  }
0x9c: {  	_ =	strace s4  }
0x9d: {  	_ =	strace $0x8FFFFFFF  }
0x9e: {  	s19 =	sld [smem:$0x3FDB];
	_ =	sdelay $0x1  }
0x9f: {  	s5 =	simm.s32 $_scs_section_size  }
0xa0: {  	s6 =	simm.s32 $_size__tile_overlayer_lowered;
	s7 =	simm.s32 $_tile_overlayer_lowered  }
0xa1: {  	s22 =	simm.s32 $0x1BFF;
	s21 =	sshll.u32 s7, $0x1;
	s4 =	sadd.s32 s5, s19  }
0xa2: {  	s8 =	simm.s32 $0x0;
	s20 =	sshll.u32 s6, $0x1;
	s6 =	sadd.s32 s21, s4  }
0xa3: {  	[timem:s8], [sflag:s22] =	dma.local [hbm:s6], s20  }
0xa4: {  	_ =	swait.ge [sflag:s22], s20  }
0xa5: {  	s5 =	ssub.s32 $0x0, s20;
	[sflag:s22] =	ssyncset.done $0x0  }
0xa6: {  	[sflag:s22] =	ssyncadd.s32 s5;
	_ =	sdelay $0x1  }
0xa7: {  	s23 =	simm.s32 $0x1B8B  }
0xa8: {  	_ =	swait.ge [sflag:s23], $0x1  }
0xa9: {  	[sflag:s23] =	ssyncset.done $0x0  }
0xaa: {  	s25 =	simm.s32 $0x1B8E;
	s24 =	sld [smem:$0x3FFE];
	[sflag:s23] =	ssyncadd.s32 $0xFFFFFFFF  }
0xab: {  	s26 =	simm.s32 $execute0_lowered;
	[smem:$0x3FD2] =	sst s25  }
0xac: {  	s6 =	sshll.u32 s26, $0x1;
	_ =	strace $0x80000046;
	[dreg:$0x1] =	wrdreg $0xFFFFFFFF  }
0xad: {  	s28 =	simm.s32 $_size_execute0_lowered;
	s4 =	sadd.s32 s4, s6;
	[dreg:$0x0] =	wrdreg $0x0  }
0xae: {  	s6 =	sshll.u32 s28, $0x1;
	[dreg:$0x2] =	wrdreg s4  }
0xaf: {  	[dreg:$0x3] =	wrdreg s6  }
0xb0: {  	[dreg:$0x4] =	wrdreg $0xC0  }
0xb1: {  	_ =	task [dreg:s8], $0x5FFFF  }
0xb2: {  	[dreg:$0x1] =	wrdreg $0xFFFFFFFF  }
0xb3: {  	[dreg:$0x0] =	wrdreg $0x60  }
0xb4: {  	[dreg:$0x2] =	wrdreg s16  }
0xb5: {  	[dreg:$0x3] =	wrdreg s24  }
0xb6: {  	[dreg:$0x4] =	wrdreg s17  }
0xb7: {  	[dreg:$0x5] =	wrdreg $0x68000  }
0xb8: {  	[dreg:$0x6] =	wrdreg $0x9  }
0xb9: {  	_ =	task.clear_ibuf [dreg:s8], $0x7FFFF;
	_ =	strace $0x90000046  }
0xba: {  	s29 =	simm.s32 $0x9;
	_ =	strace $0x80000048  }
0xbb: {  	_ =	swait.ge [sflag:s29], $0x1  }
0xbc: {  	[sflag:s29] =	ssyncadd.s32 $0xFFFFFFFF  }
0xbd: {  	_ =	strace $0x90000048  }
0xbe: {  	_ =	sfence  }
0xbf: {  	s30 =	sld [smem:$0x0];
	_ =	sdelay $0x2  }
0xc0: {  	s31 =	sshll.u32 s1, $0xD;
	s1 =	sshrl.u32 s1, $0x2  }
0xc1: {  	s3 =	sand.u32 $0x4000, s31;
	s1 =	sadd.s32 s1, s30  }
0xc2: {  	s0 =	sor.u32 s3, s0;
	s1 =	sshll.u32 s1, $0x11  }
0xc3: {  	s0 =	sor.u32 s1, s0  }
0xc4: {  	s0 =	sadd.s32 $0x8F2B, s0  }
0xc5: {  	[sflag:s0] =	ssyncadd.remote.s32 $0x1  }
0xc6: {  	_ =	sfence.sel $0xFFFF  }
0xc7: {  	[dreg:$0x0] =	wrdreg $0xFFFFFFFF;
	(pc) =	sbr.abs _section_cstart, $3  }
0xc8: {  	[dreg:$0x1] =	wrdreg $0xFFFFFFFF  }
0xc9: {  	_ =	task.clear_ibuf [dreg:s8], $0x2FFFF;
	_ =	strace $0x9FFFFFFF  }
0xca: {  	(tm) =	ssettm $0x7FFFFFFF  }
0xcb: {  	_ =	shalt  }
tec
execute0_lowered:
.L_overlay_start_1:
0x0: {  	(tag) =	ssettag $0x1  }
0x1: {  	s6 =	rddreg [dreg:$0x0]  }
0x2: {  	s4 =	rddreg [dreg:$0x1]  }
0x3: {  	s7 =	rddreg [dreg:$0x2]  }
0x4: {  	s2 =	rddreg [dreg:$0x3]  }
0x5: {  	s1 =	stileid.u32;
	s0 =	rddreg [dreg:$0x4];
	s3 =	simm.s32 $0x0  }
0x6: {  	s8 =	srdreg.scid;
	s13 =	simm.s32 $0x0;
	s5 =	smul.u32 $0x13C00, s1  }
0x7: {  	[smem:$0x7FF] =	sst s3;
	s8 =	sand.u32 $0x1, s8;
	s10 =	smul.u32 $0x4F000, s1  }
0x8: {  	s30 =	sshll.u32 s1, $0x6;
	_ =	strace $0x80000047;
	s28 =	ssub.s32 $0x2, s8  }
0x9: {  	s12 =	sshll.u32 s8, $0x4;
	s8 =	smul.u32 $0x13C000, s8;
	s9 =	sshrl.u32 s5, $0x3  }
0xa: {  	s11 =	sshrl.u32 s28, $0x1;
	s10 =	sshrl.u32 s10, $0x2;
	s29 =	sor.u32 s1, s12  }
0xb: {  	s12 =	simm.s32 $0x2800;
	s4 =	sadd.s32 s9, s4;
	s9 =	ssub.s32 s28, s11  }
0xc: {  	s10 =	sadd.s32 s10, s2;
	s11 =	smul.u32 $0x500, s29;
	s5 =	sadd.s32 s5, s8  }
0xd: {  	s4 =	sadd.s32 $0xC600, s4;
	s31 =	sshrl.u32 s5, $0x3;
	s5 =	sor.u32 $0x1C01, s30  }
0xe: {  	s8 =	smax.u32 s9, $0x1;
	s9 =	sshrl.u32 s10, $0x3;
	s10 =	simm.s32 $0x1  }
0xf: {  	v0 =	vimm.f32 $1.000000000e+00;
	s6 =	sadd.s32 s6, s11;
	s7 =	sadd.s32 s7, s31;
	s11 =	simm.s32 $0x80  }
.LBB2_1:
0x10: {  	[spmem:s9], [sflag:s5] =	dma.local [hbm:s4], $0x2780  }
0x11: {  	_ =	swait.ge [sflag:s10], $0x2780  }
0x12: {  	[sflag:s10] =	ssyncset.done $0x0  }
0x13: {  	[sflag:s10] =	ssyncadd.s32 $0xFFFFD880  }
0x14: {  	[tilespmem:s3], [sflag:$0x1] =	stream.linear.gather [hbm4b:s6+s3], $0x2800, $0x38;
	[tilespmem:$0x8F80] =	vst v63  }
0x15: {  	_ =	swait.ge [sflag:s10], $0x2800  }
0x16: {  	[sflag:s10] =	ssyncset.done $0x0  }
0x17: {  	s14 =	simm.s32 $0x200;
	s15 =	simm.s32 $0x0;
	[sflag:s10] =	ssyncadd.s32 $0xFFFFD800  }
.LBB2_2:
0x18: {  	p0 =	sne.s32 s14, $0xFE00;
	[tilespmem:s15+$0x2800] =	vst v0;
	s15 =	smov.u32 s14;
	s14 =	sadd.s32 $0x200, s14  }
.Ltmp0:
0x19: {  	(pc) =	sbr.rel @p0 .LBB2_2-.Ltmp0, $2  }
0x1a: {  	_ =	sdelay $0x2  }
0x1b: {  	s15 =	sshra.s32 s15, $0x2  }
0x1c: {  	[tilespmem:s15+$0x2800] =	vst v0  }
0x1d: {  	s14 =	simm.s32 $0x0;
	[bflag:$0x0] =	sbarrier.arrive $0xFFFF  }
0x1e: {  	[spmem:s2] =	stream.indirect.scatter.add.f32 [tilespmem:s12], [sflag:$0x1], $0x10, s14, s11, $0xb8;
	[tilespmem:$0x8F80] =	vst v63  }
0x1f: {  	_ =	swait.ge [sflag:s10], $0x800  }
0x20: {  	s14 =	simm.s32 $0x200;
	[sflag:s10] =	ssyncset.done $0x0  }
.LBB2_4:
0x21: {  	s15 =	sshra.s32 s14, $0x2;
	[sflag:s10] =	ssyncadd.s32 $0xFFFFF800;
	p0 =	sne.s32 s14, $0x9E00  }
0x22: {  	[spmem:s2] =	stream.indirect.scatter.add.f32 [tilespmem:s12], [sflag:$0x1], $0x10, s15, s11, $0xb8;
	[tilespmem:$0x8F80] =	vst v63  }
.Ltmp1:
0x23: {  	_ = 	snop;
	(pc) =	sbr.rel @p0 .LBB2_4-.Ltmp1, $4  }
0x24: {  	_ = 	snop  }
0x25: {  	s14 =	sadd.s32 $0x200, s14  }
0x26: {  	_ =	swait.ge [sflag:s10], $0x800  }
0x27: {  	[sflag:s10] =	ssyncset.done $0x0  }
0x28: {  	s13 =	sadd.s32 $0x1, s13  }
0x29: {  	[sflag:s10] =	ssyncadd.s32 $0xFFFFF800;
	p0 =	sne.s32 s13, s8  }
.Ltmp2:
0x2a: {  	[bflag:$0x0] =	sbarrier.arrive $0xFFFF;
	(pc) =	sbr.rel @p0 .LBB2_1-.Ltmp2, $4  }
0x2b: {  	[hbm:s7], [sflag:s5] =	dma.local [spmem:s9], $0x2780  }
0x2c: {  	_ =	swait.ge [sflag:s10], $0x2780  }
0x2d: {  	[sflag:s10] =	ssyncset.done $0x0  }
0x2e: {  	[sflag:s10] =	ssyncadd.s32 $0xFFFFD880  }
0x2f: {  	_ =	sfence.sel $0x180000  }
0x30: {  	[bflag:$0x0] =	sbarrier.arrive $0xFFFF  }
0x31: {  	p0 =	sne.s32 s1, $0x0;
	_ =	strace $0x90000047  }
0x32: {  	s0 =	sadd.s32 @!p0 $0x100000, s0;
	[bflag:$0x2] =	sbarrier.arrive $0xFFFF  }
0x33: {  	[sflag:s0] =	ssyncadd.tile.s32 @!p0 $0x1;
	_ =	shalt  }
.Lfunc_end2:
_tile_overlayer_lowered:
.L_overlay_start_2:
0x34: {  	(tag) =	ssettag $0x2  }
0x35: {  	s0 =	rddreg [dreg:$0x0];
	s2 =	stileid.u32  }
0x36: {  	s1 =	rddreg [dreg:$0x1];
	p0 =	sne.s32 s2, $0x0  }
0x37: {  	s3 =	rddreg [dreg:$0x2];
	[bflag:$0x3] =	sbarrier.arrive $0xFFFF;
	s2 =	simm.s32 @!p0 $0x1C01  }
0x38: {  	[timem:s3], [sflag:s2] =	dma.local @!p0 [hbm:s0], s1  }
0x39: {  	s0 =	simm.s32 @!p0 $0x1  }
0x3a: {  	_ =	swait.ge @!p0 [sflag:s0], s1  }
0x3b: {  	s1 =	ssub.s32 @!p0 $0x0, s1;
	[sflag:s0] =	ssyncset.done @!p0 $0x0  }
0x3c: {  	[sflag:s0] =	ssyncadd.s32 @!p0 s1  }
0x3d: {  	[bflag:$0x3] =	sbarrier.arrive $0xFFFF  }
0x3e: {  	_ =	shalt  }

</sc_bundles>
